<compile_context>
chip_gen: v7x
topology: tpu7x:2x2x1
jax: 0.10.2.dev20260603
libtpu: 0.0.44.dev20260713+nightly
codegen_flags: <defaults>
</compile_context>

<pallas_src>
import jax
import jax.numpy as jnp
from jax import lax
from jax.experimental import pallas as pl
from jax.experimental.pallas import tpu as pltpu
from jax.experimental.pallas import tpu_sc as plsc

BATCH = 4096
HIST = 50
D_MODEL = 512
TOTAL = BATCH * HIST

NUM_CORES = 2
NUM_SUBCORES = 16
NUM_WORKERS = NUM_CORES * NUM_SUBCORES
ROWS_PER_W = TOTAL // NUM_WORKERS

CHUNK = 80
NCHUNK = ROWS_PER_W // CHUNK
NSLOT = 3
LOOKAHEAD = 2


def _emb_body(idx_hbm, table_hbm, out_hbm, idx_v, bufs, gsems, ssems):
    wid = lax.axis_index("s") * NUM_CORES + lax.axis_index("c")
    base = wid * ROWS_PER_W

    pltpu.sync_copy(idx_hbm.at[pl.ds(base, ROWS_PER_W)], idx_v)

    def _gather(k, b):
        return pltpu.make_async_copy(
            table_hbm.at[idx_v.at[pl.ds(k * CHUNK, CHUNK)]], bufs[b], gsems[b])

    def _store(k, b):
        return pltpu.make_async_copy(
            bufs[b], out_hbm.at[pl.ds(base + k * CHUNK, CHUNK)], ssems[b])

    for k in range(LOOKAHEAD):
        _gather(k, k).start()

    def _iter(k, carry):
        slot = lax.rem(k, NSLOT)

        def _run(b):
            _gather(k, b).wait()
            _store(k, b).start()

            bn = (b + LOOKAHEAD) % NSLOT

            @pl.when(k >= NSLOT - LOOKAHEAD)
            def _():
                _store(k - (NSLOT - LOOKAHEAD), bn).wait()

            @pl.when(k + LOOKAHEAD < NCHUNK)
            def _():
                _gather(k + LOOKAHEAD, bn).start()

        for b in range(NSLOT):
            @pl.when(slot == b)
            def _(b=b):
                _run(b)

        return carry

    lax.fori_loop(0, NCHUNK, _iter, 0)

    for k in range(NCHUNK - (NSLOT - LOOKAHEAD), NCHUNK):
        _store(k, k % NSLOT).wait()


@jax.jit
def _embed(idx_flat, table):
    mesh = plsc.VectorSubcoreMesh(core_axis_name="c", subcore_axis_name="s")
    run = pl.kernel(
        _emb_body,
        mesh=mesh,
        out_type=jax.ShapeDtypeStruct((TOTAL, D_MODEL), jnp.float32),
        scratch_types=[
            pltpu.VMEM((ROWS_PER_W,), jnp.int32),
            tuple(pltpu.VMEM((CHUNK, D_MODEL), jnp.float32)
                  for _ in range(NSLOT)),
            tuple(pltpu.SemaphoreType.DMA for _ in range(NSLOT)),
            tuple(pltpu.SemaphoreType.DMA for _ in range(NSLOT)),
        ],
    )
    return run(idx_flat, table)


def kernel(x, table):
    idx_t = x.astype(jnp.int32).T.reshape(-1)
    out = _embed(idx_t, table)
    return out.reshape(HIST, BATCH, D_MODEL).transpose(1, 0, 2)

# --- scband reference (transcript-rebuilt; emitter-appended) ---
"""Pipeline reference for scband-embedder-50577534878389 (READ-ONLY COPY).

The authoritative reference and input builder live on the scoring server;
editing this copy changes nothing except your own understanding.
"""

import jax, jax.numpy as jnp
import numpy as np

VOCAB = 100000
D_MODEL = 512
BATCH = 4096
HIST = 50

def setup_inputs(seed: int = 0) -> dict:
    key = jax.random.key(seed)
    k1, k2 = jax.random.split(key)
    x = jax.random.randint(k1, (BATCH, HIST), 0, VOCAB, dtype=jnp.int64)
    # nn.Embedding default init: N(0, 1)
    table = jax.random.normal(k2, (VOCAB, D_MODEL), dtype=jnp.float32)
    return {"x": x, "table": table}

def reference(x, table):
    # Faithful to nn.Embedding forward: row gather from the embedding table
    return jnp.take(table, x, axis=0)

if __name__ == "__main__":
    import jax
    _d = setup_inputs()
    print(jax.jit(kernel)(*tuple(_d.values())))

</pallas_src>

<mosaic_0001>
#map = affine_map<(d0, d1) -> (0)>
#map1 = affine_map<(d0, d1) -> (0, 0)>
module attributes {stable_mosaic.version = 14 : i64} {
  func.func @_emb_body(%arg0: i32, %arg1: i32, %arg2: memref<204800xi32, #tpu.memory_space<hbm>>, %arg3: memref<100000x512xf32, #tpu.memory_space<hbm>>, %arg4: memref<204800x512xf32, #tpu.memory_space<hbm>>, %arg5: memref<6400xi32, #tpu.memory_space<vmem>>, %arg6: memref<80x512xf32, #tpu.memory_space<vmem>>, %arg7: memref<80x512xf32, #tpu.memory_space<vmem>>, %arg8: memref<80x512xf32, #tpu.memory_space<vmem>>, %arg9: memref<!tpu.dma_semaphore, #tpu.memory_space<semaphore_mem>>, %arg10: memref<!tpu.dma_semaphore, #tpu.memory_space<semaphore_mem>>, %arg11: memref<!tpu.dma_semaphore, #tpu.memory_space<semaphore_mem>>, %arg12: memref<!tpu.dma_semaphore, #tpu.memory_space<semaphore_mem>>, %arg13: memref<!tpu.dma_semaphore, #tpu.memory_space<semaphore_mem>>, %arg14: memref<!tpu.dma_semaphore, #tpu.memory_space<semaphore_mem>>) attributes {dimension_semantics = [#tpu.dimension_semantics<core_parallel>, #tpu.dimension_semantics<subcore_parallel>], iteration_bounds = array<i64: 2, 16>, scalar_prefetch = 0 : i64, scratch_operands = 10 : i64, tpu.core_type = #tpu.core_type<sc_vector_subcore>, window_params = [{transform_indices = #map}, {transform_indices = #map1}, {transform_indices = #map1}]} {
    %mul3A = arith.constant 2 : i32
    %mul3A_0 = arith.muli %arg1, %mul3A : i32
    %add3A = arith.addi %mul3A_0, %arg0 : i32
    %mul3A_1 = arith.constant 6400 : i32
    %mul3A_2 = arith.muli %add3A, %mul3A_1 : i32
    "tpu.region"() ({
      %run_scoped3A = tpu.sem_alloc : memref<!tpu.dma_semaphore, #tpu.memory_space<semaphore_mem>>
      %dma_start3A_22 = tpu.memref_slice %arg2[%mul3A_2] : memref<204800xi32, #tpu.memory_space<hbm>> -> memref<6400xi32, #tpu.memory_space<hbm>>
      %dma_start3A_23 = tpu.memref_slice %arg2[%mul3A_2] : memref<204800xi32, #tpu.memory_space<hbm>> -> memref<6400xi32, #tpu.memory_space<hbm>>
      tpu.enqueue_dma source(%dma_start3A_23 : memref<6400xi32, #tpu.memory_space<hbm>>) target(%arg5 : memref<6400xi32, #tpu.memory_space<vmem>>) target_semaphore(%run_scoped3A : memref<!tpu.dma_semaphore, #tpu.memory_space<semaphore_mem>>)
      %dma_wait3A_24 = tpu.memref_slice %arg2[%mul3A_2] : memref<204800xi32, #tpu.memory_space<hbm>> -> memref<6400xi32, #tpu.memory_space<hbm>>
      %dma_wait3A_25 = tpu.memref_slice %arg2[%mul3A_2] : memref<204800xi32, #tpu.memory_space<hbm>> -> memref<6400xi32, #tpu.memory_space<hbm>>
      tpu.wait_dma2 semaphore(%run_scoped3A : memref<!tpu.dma_semaphore, #tpu.memory_space<semaphore_mem>>) src(%dma_wait3A_25 : memref<6400xi32, #tpu.memory_space<hbm>>) dst(%arg5 : memref<6400xi32, #tpu.memory_space<vmem>>)
      tpu.yield
    }) : () -> ()
    %dma_start3A = arith.constant 0 : i32
    %dma_start3A_3 = tpu.memref_slice %arg5[%dma_start3A] : memref<6400xi32, #tpu.memory_space<vmem>> -> memref<80xi32, #tpu.memory_space<vmem>>
    %dma_start3A_4 = arith.constant 0 : i32
    %dma_start3A_5 = arith.constant 0 : i32
    %dma_start3A_6 = tpu.memref_slice %arg3[%dma_start3A_4, %dma_start3A_5] : memref<100000x512xf32, #tpu.memory_space<hbm>> -> memref<100000x512xf32, #tpu.memory_space<hbm>>
    tpu.enqueue_indirect_dma source(%dma_start3A_6 : memref<100000x512xf32, #tpu.memory_space<hbm>>) target(%arg6 : memref<80x512xf32, #tpu.memory_space<vmem>>) offsets(%dma_start3A_3 : memref<80xi32, #tpu.memory_space<vmem>>) semaphore(%arg9 : memref<!tpu.dma_semaphore, #tpu.memory_space<semaphore_mem>>)
    %dma_start3A_7 = arith.constant 80 : i32
    %dma_start3A_8 = tpu.memref_slice %arg5[%dma_start3A_7] : memref<6400xi32, #tpu.memory_space<vmem>> -> memref<80xi32, #tpu.memory_space<vmem>>
    %dma_start3A_9 = arith.constant 0 : i32
    %dma_start3A_10 = arith.constant 0 : i32
    %dma_start3A_11 = tpu.memref_slice %arg3[%dma_start3A_9, %dma_start3A_10] : memref<100000x512xf32, #tpu.memory_space<hbm>> -> memref<100000x512xf32, #tpu.memory_space<hbm>>
    tpu.enqueue_indirect_dma source(%dma_start3A_11 : memref<100000x512xf32, #tpu.memory_space<hbm>>) target(%arg7 : memref<80x512xf32, #tpu.memory_space<vmem>>) offsets(%dma_start3A_8 : memref<80xi32, #tpu.memory_space<vmem>>) semaphore(%arg10 : memref<!tpu.dma_semaphore, #tpu.memory_space<semaphore_mem>>)
    %scan3A = arith.constant 0 : i32
    %scan3A_12 = arith.constant 0 : i32
    %scan3A_13 = arith.constant 80 : i32
    %scan3A_14 = arith.addi %scan3A_12, %scan3A_13 : i32
    %scan3A_15 = arith.constant 1 : i32
    scf.for %scan3A_22 = %scan3A_12 to %scan3A_14 step %scan3A_15  : i32 {
      %rem3A = arith.constant 3 : i32
      %rem3A_23 = arith.remsi %scan3A_22, %rem3A : i32
      %eq3A = arith.constant 0 : i32
      %eq3A_24 = arith.cmpi eq, %rem3A_23, %eq3A : i32
      %convert_element_type3A = arith.extui %eq3A_24 : i1 to i32
      %cond3A = arith.constant 0 : i32
      %cond3A_25 = arith.cmpi ne, %convert_element_type3A, %cond3A : i32
      scf.if %cond3A_25 {
        %mul3A_36 = arith.constant 80 : i32
        %mul3A_37 = arith.muli %scan3A_22, %mul3A_36 : i32
        %dma_wait3A_38 = tpu.memref_slice %arg5[%mul3A_37] : memref<6400xi32, #tpu.memory_space<vmem>> -> memref<80xi32, #tpu.memory_space<vmem>>
        %dma_wait3A_39 = arith.constant 0 : i32
        %dma_wait3A_40 = arith.constant 0 : i32
        %dma_wait3A_41 = tpu.memref_slice %arg3[%dma_wait3A_39, %dma_wait3A_40] : memref<100000x512xf32, #tpu.memory_space<hbm>> -> memref<100000x512xf32, #tpu.memory_space<hbm>>
        tpu.wait_indirect_dma semaphore(%arg9 : memref<!tpu.dma_semaphore, #tpu.memory_space<semaphore_mem>>) src(%dma_wait3A_41 : memref<100000x512xf32, #tpu.memory_space<hbm>>) dst(%arg6 : memref<80x512xf32, #tpu.memory_space<vmem>>)
        %mul3A_42 = arith.constant 80 : i32
        %mul3A_43 = arith.muli %scan3A_22, %mul3A_42 : i32
        %add3A_44 = arith.addi %mul3A_2, %mul3A_43 : i32
        %dma_start3A_45 = arith.constant 0 : i32
        %dma_start3A_46 = tpu.memref_slice %arg4[%add3A_44, %dma_start3A_45] : memref<204800x512xf32, #tpu.memory_space<hbm>> -> memref<80x512xf32, #tpu.memory_space<hbm>>
        %dma_start3A_47 = arith.constant 0 : i32
        %dma_start3A_48 = tpu.memref_slice %arg4[%add3A_44, %dma_start3A_47] : memref<204800x512xf32, #tpu.memory_space<hbm>> -> memref<80x512xf32, #tpu.memory_space<hbm>>
        tpu.enqueue_dma source(%arg6 : memref<80x512xf32, #tpu.memory_space<vmem>>) target(%dma_start3A_48 : memref<80x512xf32, #tpu.memory_space<hbm>>) target_semaphore(%arg12 : memref<!tpu.dma_semaphore, #tpu.memory_space<semaphore_mem>>)
        %ge3A = arith.constant 1 : i32
        %ge3A_49 = arith.cmpi sge, %scan3A_22, %ge3A : i32
        %convert_element_type3A_50 = arith.extui %ge3A_49 : i1 to i32
        %cond3A_51 = arith.constant 0 : i32
        %cond3A_52 = arith.cmpi ne, %convert_element_type3A_50, %cond3A_51 : i32
        scf.if %cond3A_52 {
          %sub3A = arith.constant 1 : i32
          %sub3A_59 = arith.subi %scan3A_22, %sub3A : i32
          %mul3A_60 = arith.constant 80 : i32
          %mul3A_61 = arith.muli %sub3A_59, %mul3A_60 : i32
          %add3A_62 = arith.addi %mul3A_2, %mul3A_61 : i32
          %dma_wait3A_63 = arith.constant 0 : i32
          %dma_wait3A_64 = tpu.memref_slice %arg4[%add3A_62, %dma_wait3A_63] : memref<204800x512xf32, #tpu.memory_space<hbm>> -> memref<80x512xf32, #tpu.memory_space<hbm>>
          %dma_wait3A_65 = arith.constant 0 : i32
          %dma_wait3A_66 = tpu.memref_slice %arg4[%add3A_62, %dma_wait3A_65] : memref<204800x512xf32, #tpu.memory_space<hbm>> -> memref<80x512xf32, #tpu.memory_space<hbm>>
          tpu.wait_dma2 semaphore(%arg14 : memref<!tpu.dma_semaphore, #tpu.memory_space<semaphore_mem>>) src(%arg8 : memref<80x512xf32, #tpu.memory_space<vmem>>) dst(%dma_wait3A_66 : memref<80x512xf32, #tpu.memory_space<hbm>>)
        } else {
        }
        %add3A_53 = arith.constant 2 : i32
        %add3A_54 = arith.addi %scan3A_22, %add3A_53 : i32
        %lt3A = arith.constant 80 : i32
        %lt3A_55 = arith.cmpi slt, %add3A_54, %lt3A : i32
        %convert_element_type3A_56 = arith.extui %lt3A_55 : i1 to i32
        %cond3A_57 = arith.constant 0 : i32
        %cond3A_58 = arith.cmpi ne, %convert_element_type3A_56, %cond3A_57 : i32
        scf.if %cond3A_58 {
          %add3A_59 = arith.constant 2 : i32
          %add3A_60 = arith.addi %scan3A_22, %add3A_59 : i32
          %mul3A_61 = arith.constant 80 : i32
          %mul3A_62 = arith.muli %add3A_60, %mul3A_61 : i32
          %dma_start3A_63 = tpu.memref_slice %arg5[%mul3A_62] : memref<6400xi32, #tpu.memory_space<vmem>> -> memref<80xi32, #tpu.memory_space<vmem>>
          %dma_start3A_64 = arith.constant 0 : i32
          %dma_start3A_65 = arith.constant 0 : i32
          %dma_start3A_66 = tpu.memref_slice %arg3[%dma_start3A_64, %dma_start3A_65] : memref<100000x512xf32, #tpu.memory_space<hbm>> -> memref<100000x512xf32, #tpu.memory_space<hbm>>
          tpu.enqueue_indirect_dma source(%dma_start3A_66 : memref<100000x512xf32, #tpu.memory_space<hbm>>) target(%arg8 : memref<80x512xf32, #tpu.memory_space<vmem>>) offsets(%dma_start3A_63 : memref<80xi32, #tpu.memory_space<vmem>>) semaphore(%arg11 : memref<!tpu.dma_semaphore, #tpu.memory_space<semaphore_mem>>)
        } else {
        }
      } else {
      }
      %eq3A_26 = arith.constant 1 : i32
      %eq3A_27 = arith.cmpi eq, %rem3A_23, %eq3A_26 : i32
      %convert_element_type3A_28 = arith.extui %eq3A_27 : i1 to i32
      %cond3A_29 = arith.constant 0 : i32
      %cond3A_30 = arith.cmpi ne, %convert_element_type3A_28, %cond3A_29 : i32
      scf.if %cond3A_30 {
        %mul3A_36 = arith.constant 80 : i32
        %mul3A_37 = arith.muli %scan3A_22, %mul3A_36 : i32
        %dma_wait3A_38 = tpu.memref_slice %arg5[%mul3A_37] : memref<6400xi32, #tpu.memory_space<vmem>> -> memref<80xi32, #tpu.memory_space<vmem>>
        %dma_wait3A_39 = arith.constant 0 : i32
        %dma_wait3A_40 = arith.constant 0 : i32
        %dma_wait3A_41 = tpu.memref_slice %arg3[%dma_wait3A_39, %dma_wait3A_40] : memref<100000x512xf32, #tpu.memory_space<hbm>> -> memref<100000x512xf32, #tpu.memory_space<hbm>>
        tpu.wait_indirect_dma semaphore(%arg10 : memref<!tpu.dma_semaphore, #tpu.memory_space<semaphore_mem>>) src(%dma_wait3A_41 : memref<100000x512xf32, #tpu.memory_space<hbm>>) dst(%arg7 : memref<80x512xf32, #tpu.memory_space<vmem>>)
        %mul3A_42 = arith.constant 80 : i32
        %mul3A_43 = arith.muli %scan3A_22, %mul3A_42 : i32
        %add3A_44 = arith.addi %mul3A_2, %mul3A_43 : i32
        %dma_start3A_45 = arith.constant 0 : i32
        %dma_start3A_46 = tpu.memref_slice %arg4[%add3A_44, %dma_start3A_45] : memref<204800x512xf32, #tpu.memory_space<hbm>> -> memref<80x512xf32, #tpu.memory_space<hbm>>
        %dma_start3A_47 = arith.constant 0 : i32
        %dma_start3A_48 = tpu.memref_slice %arg4[%add3A_44, %dma_start3A_47] : memref<204800x512xf32, #tpu.memory_space<hbm>> -> memref<80x512xf32, #tpu.memory_space<hbm>>
        tpu.enqueue_dma source(%arg7 : memref<80x512xf32, #tpu.memory_space<vmem>>) target(%dma_start3A_48 : memref<80x512xf32, #tpu.memory_space<hbm>>) target_semaphore(%arg13 : memref<!tpu.dma_semaphore, #tpu.memory_space<semaphore_mem>>)
        %ge3A = arith.constant 1 : i32
        %ge3A_49 = arith.cmpi sge, %scan3A_22, %ge3A : i32
        %convert_element_type3A_50 = arith.extui %ge3A_49 : i1 to i32
        %cond3A_51 = arith.constant 0 : i32
        %cond3A_52 = arith.cmpi ne, %convert_element_type3A_50, %cond3A_51 : i32
        scf.if %cond3A_52 {
          %sub3A = arith.constant 1 : i32
          %sub3A_59 = arith.subi %scan3A_22, %sub3A : i32
          %mul3A_60 = arith.constant 80 : i32
          %mul3A_61 = arith.muli %sub3A_59, %mul3A_60 : i32
          %add3A_62 = arith.addi %mul3A_2, %mul3A_61 : i32
          %dma_wait3A_63 = arith.constant 0 : i32
          %dma_wait3A_64 = tpu.memref_slice %arg4[%add3A_62, %dma_wait3A_63] : memref<204800x512xf32, #tpu.memory_space<hbm>> -> memref<80x512xf32, #tpu.memory_space<hbm>>
          %dma_wait3A_65 = arith.constant 0 : i32
          %dma_wait3A_66 = tpu.memref_slice %arg4[%add3A_62, %dma_wait3A_65] : memref<204800x512xf32, #tpu.memory_space<hbm>> -> memref<80x512xf32, #tpu.memory_space<hbm>>
          tpu.wait_dma2 semaphore(%arg12 : memref<!tpu.dma_semaphore, #tpu.memory_space<semaphore_mem>>) src(%arg6 : memref<80x512xf32, #tpu.memory_space<vmem>>) dst(%dma_wait3A_66 : memref<80x512xf32, #tpu.memory_space<hbm>>)
        } else {
        }
        %add3A_53 = arith.constant 2 : i32
        %add3A_54 = arith.addi %scan3A_22, %add3A_53 : i32
        %lt3A = arith.constant 80 : i32
        %lt3A_55 = arith.cmpi slt, %add3A_54, %lt3A : i32
        %convert_element_type3A_56 = arith.extui %lt3A_55 : i1 to i32
        %cond3A_57 = arith.constant 0 : i32
        %cond3A_58 = arith.cmpi ne, %convert_element_type3A_56, %cond3A_57 : i32
        scf.if %cond3A_58 {
          %add3A_59 = arith.constant 2 : i32
          %add3A_60 = arith.addi %scan3A_22, %add3A_59 : i32
          %mul3A_61 = arith.constant 80 : i32
          %mul3A_62 = arith.muli %add3A_60, %mul3A_61 : i32
          %dma_start3A_63 = tpu.memref_slice %arg5[%mul3A_62] : memref<6400xi32, #tpu.memory_space<vmem>> -> memref<80xi32, #tpu.memory_space<vmem>>
          %dma_start3A_64 = arith.constant 0 : i32
          %dma_start3A_65 = arith.constant 0 : i32
          %dma_start3A_66 = tpu.memref_slice %arg3[%dma_start3A_64, %dma_start3A_65] : memref<100000x512xf32, #tpu.memory_space<hbm>> -> memref<100000x512xf32, #tpu.memory_space<hbm>>
          tpu.enqueue_indirect_dma source(%dma_start3A_66 : memref<100000x512xf32, #tpu.memory_space<hbm>>) target(%arg6 : memref<80x512xf32, #tpu.memory_space<vmem>>) offsets(%dma_start3A_63 : memref<80xi32, #tpu.memory_space<vmem>>) semaphore(%arg9 : memref<!tpu.dma_semaphore, #tpu.memory_space<semaphore_mem>>)
        } else {
        }
      } else {
      }
      %eq3A_31 = arith.constant 2 : i32
      %eq3A_32 = arith.cmpi eq, %rem3A_23, %eq3A_31 : i32
      %convert_element_type3A_33 = arith.extui %eq3A_32 : i1 to i32
      %cond3A_34 = arith.constant 0 : i32
      %cond3A_35 = arith.cmpi ne, %convert_element_type3A_33, %cond3A_34 : i32
      scf.if %cond3A_35 {
        %mul3A_36 = arith.constant 80 : i32
        %mul3A_37 = arith.muli %scan3A_22, %mul3A_36 : i32
        %dma_wait3A_38 = tpu.memref_slice %arg5[%mul3A_37] : memref<6400xi32, #tpu.memory_space<vmem>> -> memref<80xi32, #tpu.memory_space<vmem>>
        %dma_wait3A_39 = arith.constant 0 : i32
        %dma_wait3A_40 = arith.constant 0 : i32
        %dma_wait3A_41 = tpu.memref_slice %arg3[%dma_wait3A_39, %dma_wait3A_40] : memref<100000x512xf32, #tpu.memory_space<hbm>> -> memref<100000x512xf32, #tpu.memory_space<hbm>>
        tpu.wait_indirect_dma semaphore(%arg11 : memref<!tpu.dma_semaphore, #tpu.memory_space<semaphore_mem>>) src(%dma_wait3A_41 : memref<100000x512xf32, #tpu.memory_space<hbm>>) dst(%arg8 : memref<80x512xf32, #tpu.memory_space<vmem>>)
        %mul3A_42 = arith.constant 80 : i32
        %mul3A_43 = arith.muli %scan3A_22, %mul3A_42 : i32
        %add3A_44 = arith.addi %mul3A_2, %mul3A_43 : i32
        %dma_start3A_45 = arith.constant 0 : i32
        %dma_start3A_46 = tpu.memref_slice %arg4[%add3A_44, %dma_start3A_45] : memref<204800x512xf32, #tpu.memory_space<hbm>> -> memref<80x512xf32, #tpu.memory_space<hbm>>
        %dma_start3A_47 = arith.constant 0 : i32
        %dma_start3A_48 = tpu.memref_slice %arg4[%add3A_44, %dma_start3A_47] : memref<204800x512xf32, #tpu.memory_space<hbm>> -> memref<80x512xf32, #tpu.memory_space<hbm>>
        tpu.enqueue_dma source(%arg8 : memref<80x512xf32, #tpu.memory_space<vmem>>) target(%dma_start3A_48 : memref<80x512xf32, #tpu.memory_space<hbm>>) target_semaphore(%arg14 : memref<!tpu.dma_semaphore, #tpu.memory_space<semaphore_mem>>)
        %ge3A = arith.constant 1 : i32
        %ge3A_49 = arith.cmpi sge, %scan3A_22, %ge3A : i32
        %convert_element_type3A_50 = arith.extui %ge3A_49 : i1 to i32
        %cond3A_51 = arith.constant 0 : i32
        %cond3A_52 = arith.cmpi ne, %convert_element_type3A_50, %cond3A_51 : i32
        scf.if %cond3A_52 {
          %sub3A = arith.constant 1 : i32
          %sub3A_59 = arith.subi %scan3A_22, %sub3A : i32
          %mul3A_60 = arith.constant 80 : i32
          %mul3A_61 = arith.muli %sub3A_59, %mul3A_60 : i32
          %add3A_62 = arith.addi %mul3A_2, %mul3A_61 : i32
          %dma_wait3A_63 = arith.constant 0 : i32
          %dma_wait3A_64 = tpu.memref_slice %arg4[%add3A_62, %dma_wait3A_63] : memref<204800x512xf32, #tpu.memory_space<hbm>> -> memref<80x512xf32, #tpu.memory_space<hbm>>
          %dma_wait3A_65 = arith.constant 0 : i32
          %dma_wait3A_66 = tpu.memref_slice %arg4[%add3A_62, %dma_wait3A_65] : memref<204800x512xf32, #tpu.memory_space<hbm>> -> memref<80x512xf32, #tpu.memory_space<hbm>>
          tpu.wait_dma2 semaphore(%arg13 : memref<!tpu.dma_semaphore, #tpu.memory_space<semaphore_mem>>) src(%arg7 : memref<80x512xf32, #tpu.memory_space<vmem>>) dst(%dma_wait3A_66 : memref<80x512xf32, #tpu.memory_space<hbm>>)
        } else {
        }
        %add3A_53 = arith.constant 2 : i32
        %add3A_54 = arith.addi %scan3A_22, %add3A_53 : i32
        %lt3A = arith.constant 80 : i32
        %lt3A_55 = arith.cmpi slt, %add3A_54, %lt3A : i32
        %convert_element_type3A_56 = arith.extui %lt3A_55 : i1 to i32
        %cond3A_57 = arith.constant 0 : i32
        %cond3A_58 = arith.cmpi ne, %convert_element_type3A_56, %cond3A_57 : i32
        scf.if %cond3A_58 {
          %add3A_59 = arith.constant 2 : i32
          %add3A_60 = arith.addi %scan3A_22, %add3A_59 : i32
          %mul3A_61 = arith.constant 80 : i32
          %mul3A_62 = arith.muli %add3A_60, %mul3A_61 : i32
          %dma_start3A_63 = tpu.memref_slice %arg5[%mul3A_62] : memref<6400xi32, #tpu.memory_space<vmem>> -> memref<80xi32, #tpu.memory_space<vmem>>
          %dma_start3A_64 = arith.constant 0 : i32
          %dma_start3A_65 = arith.constant 0 : i32
          %dma_start3A_66 = tpu.memref_slice %arg3[%dma_start3A_64, %dma_start3A_65] : memref<100000x512xf32, #tpu.memory_space<hbm>> -> memref<100000x512xf32, #tpu.memory_space<hbm>>
          tpu.enqueue_indirect_dma source(%dma_start3A_66 : memref<100000x512xf32, #tpu.memory_space<hbm>>) target(%arg7 : memref<80x512xf32, #tpu.memory_space<vmem>>) offsets(%dma_start3A_63 : memref<80xi32, #tpu.memory_space<vmem>>) semaphore(%arg10 : memref<!tpu.dma_semaphore, #tpu.memory_space<semaphore_mem>>)
        } else {
        }
      } else {
      }
    }
    %scan3A_16 = arith.constant 80 : i32
    %add3A_17 = arith.constant 6320 : i32
    %add3A_18 = arith.addi %mul3A_2, %add3A_17 : i32
    %dma_wait3A = arith.constant 0 : i32
    %dma_wait3A_19 = tpu.memref_slice %arg4[%add3A_18, %dma_wait3A] : memref<204800x512xf32, #tpu.memory_space<hbm>> -> memref<80x512xf32, #tpu.memory_space<hbm>>
    %dma_wait3A_20 = arith.constant 0 : i32
    %dma_wait3A_21 = tpu.memref_slice %arg4[%add3A_18, %dma_wait3A_20] : memref<204800x512xf32, #tpu.memory_space<hbm>> -> memref<80x512xf32, #tpu.memory_space<hbm>>
    tpu.wait_dma2 semaphore(%arg13 : memref<!tpu.dma_semaphore, #tpu.memory_space<semaphore_mem>>) src(%arg7 : memref<80x512xf32, #tpu.memory_space<vmem>>) dst(%dma_wait3A_21 : memref<80x512xf32, #tpu.memory_space<hbm>>)
    return
  }
}

</mosaic_0001>

<sc_bundles>
// kernel: _embed.3.cloned.1.call-start
scs
__scs_entry_jumppad:
0x0: {  	(pc) =	sbr.rel $0x88, $3  }
0x1: {  	(tag) =	ssettag $0x0;
	lr =	simm.s32 $0x1  }
0x2: {  	[smem:$0x3F9F] =	sst lr;
	_ =	strace $0xD0000000  }
0x3: {  	_ = 	snop  }
0x4: {  	_ = 	snop  }
0x5: {  	_ = 	snop  }
0x6: {  	_ = 	snop  }
0x7: {  	_ = 	snop  }
__scs_overlays_trampoline_lowered:
0x8: {  	[smem:$0x3FAE] =	sst s0  }
0x9: {  	[smem:$0x3FAF] =	sst s1  }
0xa: {  	[smem:$0x3FB0] =	sst s2  }
0xb: {  	[smem:$0x3FB1] =	sst s3  }
0xc: {  	[smem:$0x3FB2] =	sst s4  }
0xd: {  	[smem:$0x3FB3] =	sst s5  }
0xe: {  	[smem:$0x3FB4] =	sst s6  }
0xf: {  	[smem:$0x3FB5] =	sst s7  }
0x10: {  	[smem:$0x3FB6] =	sst s8  }
0x11: {  	[smem:$0x3FB7] =	sst s9;
	s0 =	simm.s32 @!p0 $0x0  }
0x12: {  	s1 =	sld [smem:$0x3F9D];
	s0 =	simm.s32 @p0 $0x1  }
0x13: {  	[smem:$0x3FB8] =	sst s0;
	s0 =	simm.s32 @!p1 $0x0  }
0x14: {  	s2 =	sld [smem:$0x3F9C];
	s0 =	simm.s32 @p1 $0x1  }
0x15: {  	[smem:$0x3FB9] =	sst s0;
	s0 =	simm.s32 @!p2 $0x0  }
0x16: {  	s3 =	sld [smem:$0x3FDB];
	s0 =	simm.s32 @p2 $0x1  }
0x17: {  	s4 =	simm.s32 $0x1BF5;
	[smem:$0x3FBB] =	sst s0  }
0x18: {  	s0 =	sld [smem:$0x3F9E];
	_ =	swait.ge [sflag:s4], $0x0  }
0x19: {  	s7 =	sld [smem:$0x3F9F]  }
0x1a: {  	s8 =	sadd.s32 $0xFFFFE003, lr  }
0x1b: {  	s9 =	sadd.s32 $0xFFFFFEF7, lr;
	s5 =	simm.s32 $0xFFFFFFFF;
	p2 =	slt.u32 s8, $0xFFFFF086  }
0x1c: {  	p1 =	slt.u32 s9, $0xF7A;
	s5 =	simm.s32 @!p2 $0x0  }
0x1d: {  	s5 =	simm.s32 @p1 $0x1;
	p0 =	seq.s32 s7, s2  }
0x1e: {  	s7 =	smul.u32 @!p0 $0xF7A, s2;
	p2 =	seq.s32 @!p0 s5, $0x0  }
0x1f: {  	s9 =	smul.u32 $0xF7A, s1;
	s8 =	simm.s32 @!p0 $0x1BF5;
	p2 =	por !p2, p0  }
0x20: {  	[sflag:s8] =	ssyncset.s32 @!p0 $0xFFFFF086;
	s6 =	sadd.s32 @!p0 s3, s7;
	s7 =	simm.s32 @!p0 $0x108  }
0x21: {  	s3 =	sadd.s32 s3, s9;
	s6 =	sadd.s32 @!p0 $0x88, s6;
	s7 =	simm.s32 @p2 $0x1082  }
0x22: {  	[simem:s7], [sflag:s8] =	dma.local @!p0 [hbm:s6], $0xF7A  }
0x23: {  	s9 =	sor.u32 $0xD0000000, s2;
	s6 =	simm.s32 $0x108;
	_ =	swait.ge @!p0 [sflag:s8], $0x0  }
0x24: {  	s3 =	sadd.s32 $0x88, s3;
	s6 =	simm.s32 @!p1 $0x1082;
	[sflag:s4] =	ssyncset.s32 $0xFFFFF086  }
0x25: {  	[simem:s6], [sflag:s4] =	dma.local [hbm:s3], $0xF7A  }
0x26: {  	[smem:$0x3F9F] =	sst s1;
	(tag) =	ssettag s2;
	_ =	strace s9  }
0x27: {  	s1 =	sld [smem:$0x3FAF]  }
0x28: {  	s2 =	sld [smem:$0x3FB0]  }
0x29: {  	s4 =	sld [smem:$0x3FB2]  }
0x2a: {  	p0 =	seq.s32 s5, $0x0;
	s5 =	sld [smem:$0x3FB3]  }
0x2b: {  	s6 =	sld [smem:$0x3FB4]  }
0x2c: {  	s7 =	sld [smem:$0x3FB5]  }
0x2d: {  	s3 =	simm.s32 $0x108;
	s8 =	sld [smem:$0x3FB6]  }
0x2e: {  	s3 =	simm.s32 @!p0 $0x1082;
	s9 =	sld [smem:$0x3FB7]  }
0x2f: {  	lr =	sadd.s32 s0, s3;
	s0 =	sld [smem:$0x3FAE]  }
0x30: {  	s3 =	sld [smem:$0x3FB1]  }
0x31: {  	[smem:$0x3FBA] =	sst s10  }
0x32: {  	s10 =	sld [smem:$0x3FB8];
	_ =	sdelay $0x3  }
0x33: {  	p0 =	seq.s32 s10, $0x1;
	s10 =	sld [smem:$0x3FBA];
	_ =	sdelay $0x3  }
0x34: {  	[smem:$0x3FBA] =	sst s10  }
0x35: {  	s10 =	sld [smem:$0x3FB9];
	_ =	sdelay $0x3  }
0x36: {  	p1 =	seq.s32 s10, $0x1;
	s10 =	sld [smem:$0x3FBA];
	_ =	sdelay $0x3  }
0x37: {  	[smem:$0x3FBA] =	sst s10  }
0x38: {  	s10 =	sld [smem:$0x3FBB]  }
0x39: {  	_ = 	snop;
	(pc) =	sbr.ind lr, $3  }
0x3a: {  	_ = 	snop  }
0x3b: {  	_ = 	snop  }
0x3c: {  	p2 =	seq.s32 s10, $0x1;
	s10 =	sld [smem:$0x3FBA]  }
0x3d: {  	_ =	shalt  }
0x3e: {  	_ =	shalt  }
0x3f: {  	_ =	shalt  }
0x40: {  	_ =	shalt  }
0x41: {  	_ =	shalt  }
0x42: {  	_ =	shalt  }
0x43: {  	_ =	shalt  }
0x44: {  	_ =	shalt  }
0x45: {  	_ =	shalt  }
0x46: {  	_ =	shalt  }
0x47: {  	_ =	shalt  }
0x48: {  	_ =	shalt  }
0x49: {  	_ =	shalt  }
0x4a: {  	_ =	shalt  }
0x4b: {  	_ =	shalt  }
0x4c: {  	_ =	shalt  }
0x4d: {  	_ =	shalt  }
0x4e: {  	_ =	shalt  }
0x4f: {  	_ =	shalt  }
0x50: {  	_ =	shalt  }
0x51: {  	_ =	shalt  }
0x52: {  	_ =	shalt  }
0x53: {  	_ =	shalt  }
0x54: {  	_ =	shalt  }
0x55: {  	_ =	shalt  }
0x56: {  	_ =	shalt  }
0x57: {  	_ =	shalt  }
0x58: {  	_ =	shalt  }
0x59: {  	_ =	shalt  }
0x5a: {  	_ =	shalt  }
0x5b: {  	_ =	shalt  }
0x5c: {  	_ =	shalt  }
0x5d: {  	_ =	shalt  }
0x5e: {  	_ =	shalt  }
0x5f: {  	_ =	shalt  }
0x60: {  	_ =	shalt  }
0x61: {  	_ =	shalt  }
0x62: {  	_ =	shalt  }
0x63: {  	_ =	shalt  }
0x64: {  	_ =	shalt  }
0x65: {  	_ =	shalt  }
0x66: {  	_ =	shalt  }
0x67: {  	_ =	shalt  }
0x68: {  	_ =	shalt  }
0x69: {  	_ =	shalt  }
0x6a: {  	_ =	shalt  }
0x6b: {  	_ =	shalt  }
0x6c: {  	_ =	shalt  }
0x6d: {  	_ =	shalt  }
0x6e: {  	_ =	shalt  }
0x6f: {  	_ =	shalt  }
0x70: {  	_ =	shalt  }
0x71: {  	_ =	shalt  }
0x72: {  	_ =	shalt  }
0x73: {  	_ =	shalt  }
0x74: {  	_ =	shalt  }
0x75: {  	_ =	shalt  }
0x76: {  	_ =	shalt  }
0x77: {  	_ =	shalt  }
0x78: {  	_ =	shalt  }
0x79: {  	_ =	shalt  }
0x7a: {  	_ =	shalt  }
0x7b: {  	_ =	shalt  }
0x7c: {  	_ =	shalt  }
0x7d: {  	_ =	shalt  }
0x7e: {  	_ =	shalt  }
0x7f: {  	_ =	shalt  }
0x80: {  	_ =	shalt  }
0x81: {  	_ =	shalt  }
0x82: {  	_ =	shalt  }
0x83: {  	_ =	shalt  }
0x84: {  	_ =	shalt  }
0x85: {  	_ =	shalt  }
0x86: {  	_ =	shalt  }
0x87: {  	_ =	shalt  }
.Lfunc_end0:
.L_simem_size_0:
called_computation_lowered:
.L_overlay_start_0:
0x88: {  	s2 =	sld [smem:$0x3FD9]  }
0x89: {  	s3 =	sld [smem:$0x3FFE];
	_ =	sdelay $0x1  }
0x8a: {  	s1 =	srdreg.scid  }
0x8b: {  	s0 =	sand.u32 $0x1, s1  }
0x8c: {  	s18 =	sshll.u32 s0, $0xA;
	s2 =	sadd.s32 s3, s2  }
0x8d: {  	s2 =	sadd.s32 s2, s18  }
0x8e: {  	[smem:$0x3FC6] =	sst s2  }
0x8f: {  	_ = 	snop  }
0x90: {  	s2 =	sld [smem:$0x3FC9]  }
0x91: {  	s19 =	sld [smem:$0x3FC8]  }
0x92: {  	s4 =	sld [smem:$0x3FD0];
	(tm) =	ssettm $0x1  }
0x93: {  	s5 =	sld [smem:$0x3FFB];
	_ =	sdelay $0x3  }
0x94: {  	_ =	strace s5  }
0x95: {  	s5 =	sld [smem:$0x3FFC];
	_ =	sdelay $0x3  }
0x96: {  	_ =	strace s5  }
0x97: {  	s5 =	sld [smem:$0x3FFD];
	_ =	sdelay $0x3  }
0x98: {  	_ =	strace s5  }
0x99: {  	_ =	strace $0x8FFFFFFF  }
0x9a: {  	s20 =	sld [smem:$0x3FDB];
	_ =	sdelay $0x1  }
0x9b: {  	s6 =	simm.s32 $_scs_section_size  }
0x9c: {  	s7 =	simm.s32 $_size__tile_overlayer_lowered;
	s8 =	simm.s32 $_tile_overlayer_lowered  }
0x9d: {  	s23 =	simm.s32 $0x1BFF;
	s22 =	sshll.u32 s8, $0x1;
	s5 =	sadd.s32 s6, s20  }
0x9e: {  	s9 =	simm.s32 $0x0;
	s21 =	sshll.u32 s7, $0x1;
	s7 =	sadd.s32 s22, s5  }
0x9f: {  	[timem:s9], [sflag:s23] =	dma.local [hbm:s7], s21  }
0xa0: {  	_ =	swait.ge [sflag:s23], s21  }
0xa1: {  	s6 =	ssub.s32 $0x0, s21;
	[sflag:s23] =	ssyncset.done $0x0  }
0xa2: {  	[sflag:s23] =	ssyncadd.s32 s6;
	_ =	sdelay $0x1  }
0xa3: {  	s24 =	simm.s32 $0x1B8B  }
0xa4: {  	_ =	swait.ge [sflag:s24], $0x1  }
0xa5: {  	[sflag:s24] =	ssyncset.done $0x0  }
0xa6: {  	s25 =	simm.s32 $0x1B8E;
	[sflag:s24] =	ssyncadd.s32 $0xFFFFFFFF  }
0xa7: {  	s26 =	simm.s32 $execute0_lowered;
	[smem:$0x3FD2] =	sst s25  }
0xa8: {  	s6 =	sshll.u32 s26, $0x1;
	_ =	strace $0x80000046;
	[dreg:$0x1] =	wrdreg $0xFFFFFFFF  }
0xa9: {  	s28 =	simm.s32 $_size_execute0_lowered;
	s5 =	sadd.s32 s5, s6;
	[dreg:$0x0] =	wrdreg $0x0  }
0xaa: {  	s6 =	sshll.u32 s28, $0x1;
	[dreg:$0x2] =	wrdreg s5  }
0xab: {  	[dreg:$0x3] =	wrdreg s6  }
0xac: {  	[dreg:$0x4] =	wrdreg $0xC0  }
0xad: {  	_ =	task [dreg:s9], $0x5FFFF  }
0xae: {  	[dreg:$0x1] =	wrdreg $0xFFFFFFFF  }
0xaf: {  	[dreg:$0x0] =	wrdreg $0x60  }
0xb0: {  	[dreg:$0x2] =	wrdreg s2  }
0xb1: {  	[dreg:$0x3] =	wrdreg s19  }
0xb2: {  	[dreg:$0x4] =	wrdreg s4  }
0xb3: {  	[dreg:$0x5] =	wrdreg $0x9  }
0xb4: {  	_ =	task.clear_ibuf [dreg:s9], $0x6FFFF;
	_ =	strace $0x90000046  }
0xb5: {  	s29 =	simm.s32 $0x9;
	_ =	strace $0x80000048  }
0xb6: {  	_ =	swait.ge [sflag:s29], $0x1  }
0xb7: {  	[sflag:s29] =	ssyncadd.s32 $0xFFFFFFFF  }
0xb8: {  	_ =	strace $0x90000048  }
0xb9: {  	_ =	sfence  }
0xba: {  	s30 =	sld [smem:$0x0];
	_ =	sdelay $0x2  }
0xbb: {  	s31 =	sshll.u32 s1, $0xD;
	s1 =	sshrl.u32 s1, $0x2  }
0xbc: {  	s3 =	sand.u32 $0x4000, s31;
	s1 =	sadd.s32 s1, s30  }
0xbd: {  	s0 =	sor.u32 s3, s0;
	s1 =	sshll.u32 s1, $0x11  }
0xbe: {  	s0 =	sor.u32 s1, s0  }
0xbf: {  	s0 =	sadd.s32 $0x8F2B, s0  }
0xc0: {  	[sflag:s0] =	ssyncadd.remote.s32 $0x1  }
0xc1: {  	_ =	sfence.sel $0xFFFF  }
0xc2: {  	[dreg:$0x0] =	wrdreg $0xFFFFFFFF;
	(pc) =	sbr.abs _section_cstart, $3  }
0xc3: {  	[dreg:$0x1] =	wrdreg $0xFFFFFFFF  }
0xc4: {  	_ =	task.clear_ibuf [dreg:s9], $0x2FFFF;
	_ =	strace $0x9FFFFFFF  }
0xc5: {  	(tm) =	ssettm $0x7FFFFFFF  }
tec
execute0_lowered:
.L_overlay_start_1:
0x0: {  	(tag) =	ssettag $0x1  }
0x1: {  	s0 =	rddreg [dreg:$0x0]  }
0x2: {  	s2 =	rddreg [dreg:$0x1];
	s1 =	srdreg.scid  }
0x3: {  	s8 =	stileid.u32;
	s4 =	rddreg [dreg:$0x2];
	s3 =	simm.s32 $0x0  }
0x4: {  	s9 =	simm.s32 $0x1900;
	s30 =	simm.s32 $0xB900;
	s10 =	simm.s32 $0xF900  }
0x5: {  	s11 =	simm.s32 $0x10100;
	s12 =	simm.s32 $0x10900;
	s13 =	simm.s32 $0x11100  }
0x6: {  	s14 =	simm.s32 $0x11900;
	s15 =	simm.s32 $0x12100;
	s16 =	simm.s32 $0x12900  }
0x7: {  	s17 =	simm.s32 $0x13100;
	s18 =	simm.s32 $0x13900;
	s19 =	simm.s32 $0x14100  }
0x8: {  	s20 =	simm.s32 $0x14900;
	s21 =	simm.s32 $0x15100;
	s22 =	simm.s32 $0x3  }
0x9: {  	s23 =	simm.s32 $0x15900;
	s24 =	simm.s32 $0x5;
	s25 =	simm.s32 $0x2  }
0xa: {  	s28 =	simm.s32 $0x1;
	s29 =	simm.s32 $0x0;
	s1 =	sand.u32 $0x1, s1  }
0xb: {  	s5 =	sshll.u32 s8, $0x1;
	[smem:$0x7FF] =	sst s3;
	s8 =	smul.u32 $0xC8000, s8  }
0xc: {  	s5 =	sor.u32 s1, s5;
	s6 =	ssub.s32 $0x2, s1;
	s1 =	smul.u32 $0x64000, s1  }
0xd: {  	_ =	strace $0x80000047;
	s5 =	smul.u32 $0x1900, s5;
	s7 =	sshrl.u32 s6, $0x1  }
.Ltmp0:
0xe: {  	s26 =	sadd.s32 s8, s4;
	s6 =	ssub.s32 s6, s7;
	(pc) =	sbr.rel .LBB2_1-.Ltmp0, $4  }
0xf: {  	s8 =	simm.s32 $0xF100;
	s5 =	sshrl.u32 s5, $0x3;
	s31 =	smax.u32 s6, $0x1  }
0x10: {  	v2 =	vlaneseq.u32;
	s7 =	simm.s32 $0xE900;
	s0 =	sadd.s32 s0, s5;
	[dreg:$0x5] =	wrdreg s31  }
0x11: {  	vm0 =	vmmov $0xffff;
	v1 =	vshrl.u32 v2, $0x3;
	s6 =	simm.s32 $0xE100;
	[dreg:$0x4] =	wrdreg s0;
	s0 =	sadd.s32 s1, s26  }
0x12: {  	v0 =	vand.u32 $0x7, v2;
	v2 =	vor.u32 $0x8, v2;
	v1 =	vmul.u32 $0x8, v1;
	s5 =	sadd.s32 $0x100, s2;
	s26 =	simm.s32 $0x4;
	[dreg:$0x6] =	wrdreg s0  }
.LBB2_11:
0x13: {  	_ =	swait.ge [sflag:s24], $0xA000  }
0x14: {  	s29 =	sadd.s32 $0x1, s29;
	s0 =	rddreg [dreg:$0x5]  }
0x15: {  	p0 =	sne.s32 s29, s0  }
.Ltmp1:
0x16: {  	_ = 	snop;
	(pc) =	sbr.rel @!p0 .LBB2_12-.Ltmp1, $3  }
0x17: {  	_ =	sdelay $0x1  }
0x18: {  	[sflag:s24] =	ssyncset.done $0x0  }
0x19: {  	[sflag:s24] =	ssyncadd.s32 $0xFFFF6000  }
.LBB2_1:
0x1a: {  	s0 =	rddreg [dreg:$0x4];
	s1 =	simm.s32 $0x7  }
0x1b: {  	[tilespmem:s3], [sflag:$0x7] =	stream.linear.gather [hbm4b:s0+s3], $0x1900, $0x38;
	[tilespmem:$0x1F900] =	vst v63  }
0x1c: {  	_ =	swait.ge [sflag:s1], $0x1900  }
0x1d: {  	[sflag:s1] =	ssyncset.done $0x0  }
0x1e: {  	[sflag:s1] =	ssyncadd.s32 $0xFFFFE700  }
0x1f: {  	v3 =	vld [tilespmem:$0x0];
	_ =	sdelay $0x4  }
0x20: {  	v4 =	vshll.u32 v3, $0x2  }
0x21: {  	v3 =	vand.u32 $0x7, v3;
	v4 =	vand.u32 $0xFFFFFFE0, v4  }
0x22: {  	v3 =	vor.u32 v3, v4  }
0x23: {  	v4 =	vperm.xlane v3, v0;
	_ =	sdelay $0x1  }
0x24: {  	v4 =	vadd.s32 v1, v4;
	_ =	sdelay $0x1  }
0x25: {  	v3 =	vperm.xlane v3, v2;
	_ =	sdelay $0x1  }
0x26: {  	v3 =	vadd.s32 v1, v3  }
0x27: {  	[tilespmem:s9], [sflag:$0x1] =	stream.indirect_vreg.gather [hbm4b:s2+s3], $0x80, v4, vm0, $0xb8;
	[tilespmem:$0x1F900] =	vst v63  }
0x28: {  	s4 =	simm.s32 $0x2100  }
0x29: {  	[tilespmem:s4], [sflag:$0x1] =	stream.indirect_vreg.gather [hbm4b:s5+s3], $0x80, v4, vm0, $0xb8;
	[tilespmem:$0x1F900] =	vst v63  }
0x2a: {  	s1 =	simm.s32 $0x2900  }
0x2b: {  	[tilespmem:s1], [sflag:$0x1] =	stream.indirect_vreg.gather [hbm4b:s2+s3], $0x80, v3, vm0, $0xb8;
	[tilespmem:$0x1F900] =	vst v63  }
0x2c: {  	s4 =	simm.s32 $0x3100  }
0x2d: {  	[tilespmem:s4], [sflag:$0x1] =	stream.indirect_vreg.gather [hbm4b:s5+s3], $0x80, v3, vm0, $0xb8;
	[tilespmem:$0x1F900] =	vst v63  }
0x2e: {  	v3 =	vld [tilespmem:$0x10];
	_ =	sdelay $0x4  }
0x2f: {  	v55 =	vshll.u32 v3, $0x2  }
0x30: {  	v3 =	vand.u32 $0x7, v3;
	v4 =	vand.u32 $0xFFFFFFE0, v55  }
0x31: {  	v3 =	vor.u32 v3, v4  }
0x32: {  	v4 =	vperm.xlane v3, v0;
	_ =	sdelay $0x1  }
0x33: {  	v4 =	vadd.s32 v1, v4;
	_ =	sdelay $0x1  }
0x34: {  	v3 =	vperm.xlane v3, v2;
	_ =	sdelay $0x1  }
0x35: {  	s1 =	simm.s32 $0x3900;
	v3 =	vadd.s32 v1, v3  }
0x36: {  	[tilespmem:s1], [sflag:$0x1] =	stream.indirect_vreg.gather [hbm4b:s2+s3], $0x80, v4, vm0, $0xb8;
	[tilespmem:$0x1F900] =	vst v63  }
0x37: {  	s4 =	simm.s32 $0x4100  }
0x38: {  	[tilespmem:s4], [sflag:$0x1] =	stream.indirect_vreg.gather [hbm4b:s5+s3], $0x80, v4, vm0, $0xb8;
	[tilespmem:$0x1F900] =	vst v63  }
0x39: {  	s1 =	simm.s32 $0x4900  }
0x3a: {  	[tilespmem:s1], [sflag:$0x1] =	stream.indirect_vreg.gather [hbm4b:s2+s3], $0x80, v3, vm0, $0xb8;
	[tilespmem:$0x1F900] =	vst v63  }
0x3b: {  	s4 =	simm.s32 $0x5100  }
0x3c: {  	[tilespmem:s4], [sflag:$0x1] =	stream.indirect_vreg.gather [hbm4b:s5+s3], $0x80, v3, vm0, $0xb8;
	[tilespmem:$0x1F900] =	vst v63  }
0x3d: {  	v3 =	vld [tilespmem:$0x20];
	_ =	sdelay $0x4  }
0x3e: {  	v56 =	vshll.u32 v3, $0x2  }
0x3f: {  	v3 =	vand.u32 $0x7, v3;
	v4 =	vand.u32 $0xFFFFFFE0, v56  }
0x40: {  	v3 =	vor.u32 v3, v4  }
0x41: {  	v4 =	vperm.xlane v3, v0;
	_ =	sdelay $0x1  }
0x42: {  	v4 =	vadd.s32 v1, v4;
	_ =	sdelay $0x1  }
0x43: {  	v3 =	vperm.xlane v3, v2;
	_ =	sdelay $0x1  }
0x44: {  	s1 =	simm.s32 $0x5900;
	v3 =	vadd.s32 v1, v3  }
0x45: {  	[tilespmem:s1], [sflag:$0x1] =	stream.indirect_vreg.gather [hbm4b:s2+s3], $0x80, v4, vm0, $0xb8;
	[tilespmem:$0x1F900] =	vst v63  }
0x46: {  	s4 =	simm.s32 $0x6100  }
0x47: {  	[tilespmem:s4], [sflag:$0x1] =	stream.indirect_vreg.gather [hbm4b:s5+s3], $0x80, v4, vm0, $0xb8;
	[tilespmem:$0x1F900] =	vst v63  }
0x48: {  	s1 =	simm.s32 $0x6900  }
0x49: {  	[tilespmem:s1], [sflag:$0x1] =	stream.indirect_vreg.gather [hbm4b:s2+s3], $0x80, v3, vm0, $0xb8;
	[tilespmem:$0x1F900] =	vst v63  }
0x4a: {  	s4 =	simm.s32 $0x7100  }
0x4b: {  	[tilespmem:s4], [sflag:$0x1] =	stream.indirect_vreg.gather [hbm4b:s5+s3], $0x80, v3, vm0, $0xb8;
	[tilespmem:$0x1F900] =	vst v63  }
0x4c: {  	v3 =	vld [tilespmem:$0x30];
	_ =	sdelay $0x4  }
0x4d: {  	v57 =	vshll.u32 v3, $0x2  }
0x4e: {  	v3 =	vand.u32 $0x7, v3;
	v4 =	vand.u32 $0xFFFFFFE0, v57  }
0x4f: {  	v3 =	vor.u32 v3, v4  }
0x50: {  	v4 =	vperm.xlane v3, v0;
	_ =	sdelay $0x1  }
0x51: {  	v4 =	vadd.s32 v1, v4;
	_ =	sdelay $0x1  }
0x52: {  	v3 =	vperm.xlane v3, v2;
	_ =	sdelay $0x1  }
0x53: {  	s1 =	simm.s32 $0x7900;
	v3 =	vadd.s32 v1, v3  }
0x54: {  	[tilespmem:s1], [sflag:$0x1] =	stream.indirect_vreg.gather [hbm4b:s2+s3], $0x80, v4, vm0, $0xb8;
	[tilespmem:$0x1F900] =	vst v63  }
0x55: {  	s4 =	simm.s32 $0x8100  }
0x56: {  	[tilespmem:s4], [sflag:$0x1] =	stream.indirect_vreg.gather [hbm4b:s5+s3], $0x80, v4, vm0, $0xb8;
	[tilespmem:$0x1F900] =	vst v63  }
0x57: {  	s1 =	simm.s32 $0x8900  }
0x58: {  	[tilespmem:s1], [sflag:$0x1] =	stream.indirect_vreg.gather [hbm4b:s2+s3], $0x80, v3, vm0, $0xb8;
	[tilespmem:$0x1F900] =	vst v63  }
0x59: {  	s4 =	simm.s32 $0x9100  }
0x5a: {  	[tilespmem:s4], [sflag:$0x1] =	stream.indirect_vreg.gather [hbm4b:s5+s3], $0x80, v3, vm0, $0xb8;
	[tilespmem:$0x1F900] =	vst v63  }
0x5b: {  	v3 =	vld [tilespmem:$0x40];
	_ =	sdelay $0x4  }
0x5c: {  	v58 =	vshll.u32 v3, $0x2  }
0x5d: {  	v3 =	vand.u32 $0x7, v3;
	v4 =	vand.u32 $0xFFFFFFE0, v58  }
0x5e: {  	v3 =	vor.u32 v3, v4  }
0x5f: {  	v4 =	vperm.xlane v3, v0;
	_ =	sdelay $0x1  }
0x60: {  	v4 =	vadd.s32 v1, v4;
	_ =	sdelay $0x1  }
0x61: {  	v3 =	vperm.xlane v3, v2;
	_ =	sdelay $0x1  }
0x62: {  	s1 =	simm.s32 $0x9900;
	v3 =	vadd.s32 v1, v3  }
0x63: {  	[tilespmem:s1], [sflag:$0x1] =	stream.indirect_vreg.gather [hbm4b:s2+s3], $0x80, v4, vm0, $0xb8;
	[tilespmem:$0x1F900] =	vst v63  }
0x64: {  	s4 =	simm.s32 $0xA100  }
0x65: {  	[tilespmem:s4], [sflag:$0x1] =	stream.indirect_vreg.gather [hbm4b:s5+s3], $0x80, v4, vm0, $0xb8;
	[tilespmem:$0x1F900] =	vst v63  }
0x66: {  	s1 =	simm.s32 $0xA900  }
0x67: {  	[tilespmem:s1], [sflag:$0x1] =	stream.indirect_vreg.gather [hbm4b:s2+s3], $0x80, v3, vm0, $0xb8;
	[tilespmem:$0x1F900] =	vst v63  }
0x68: {  	s4 =	simm.s32 $0xB100  }
0x69: {  	[tilespmem:s4], [sflag:$0x1] =	stream.indirect_vreg.gather [hbm4b:s5+s3], $0x80, v3, vm0, $0xb8;
	[tilespmem:$0x1F900] =	vst v63  }
0x6a: {  	v3 =	vld [tilespmem:$0x50];
	_ =	sdelay $0x4  }
0x6b: {  	v59 =	vshll.u32 v3, $0x2  }
0x6c: {  	v3 =	vand.u32 $0x7, v3;
	v4 =	vand.u32 $0xFFFFFFE0, v59  }
0x6d: {  	v3 =	vor.u32 v3, v4  }
0x6e: {  	v4 =	vperm.xlane v3, v0;
	_ =	sdelay $0x1  }
0x6f: {  	v4 =	vadd.s32 v1, v4;
	_ =	sdelay $0x1  }
0x70: {  	v3 =	vperm.xlane v3, v2;
	_ =	sdelay $0x1  }
0x71: {  	v3 =	vadd.s32 v1, v3  }
0x72: {  	[tilespmem:s30], [sflag:$0x2] =	stream.indirect_vreg.gather [hbm4b:s2+s3], $0x80, v4, vm0, $0xb8;
	[tilespmem:$0x1F900] =	vst v63  }
0x73: {  	s1 =	simm.s32 $0xC100  }
0x74: {  	[tilespmem:s1], [sflag:$0x2] =	stream.indirect_vreg.gather [hbm4b:s5+s3], $0x80, v4, vm0, $0xb8;
	[tilespmem:$0x1F900] =	vst v63  }
0x75: {  	s4 =	simm.s32 $0xC900  }
0x76: {  	[tilespmem:s4], [sflag:$0x2] =	stream.indirect_vreg.gather [hbm4b:s2+s3], $0x80, v3, vm0, $0xb8;
	[tilespmem:$0x1F900] =	vst v63  }
0x77: {  	s1 =	simm.s32 $0xD100  }
0x78: {  	[tilespmem:s1], [sflag:$0x2] =	stream.indirect_vreg.gather [hbm4b:s5+s3], $0x80, v3, vm0, $0xb8;
	[tilespmem:$0x1F900] =	vst v63  }
0x79: {  	v3 =	vld [tilespmem:$0x60];
	_ =	sdelay $0x4  }
0x7a: {  	v60 =	vshll.u32 v3, $0x2  }
0x7b: {  	v3 =	vand.u32 $0x7, v3;
	v4 =	vand.u32 $0xFFFFFFE0, v60  }
0x7c: {  	v3 =	vor.u32 v3, v4  }
0x7d: {  	v4 =	vperm.xlane v3, v0;
	_ =	sdelay $0x1  }
0x7e: {  	v4 =	vadd.s32 v1, v4;
	_ =	sdelay $0x1  }
0x7f: {  	v3 =	vperm.xlane v3, v2;
	_ =	sdelay $0x1  }
0x80: {  	s4 =	simm.s32 $0xD900;
	v3 =	vadd.s32 v1, v3  }
0x81: {  	[tilespmem:s4], [sflag:$0x2] =	stream.indirect_vreg.gather [hbm4b:s2+s3], $0x80, v4, vm0, $0xb8;
	[tilespmem:$0x1F900] =	vst v63  }
0x82: {  	_ = 	snop  }
0x83: {  	[tilespmem:s6], [sflag:$0x2] =	stream.indirect_vreg.gather [hbm4b:s5+s3], $0x80, v4, vm0, $0xb8;
	[tilespmem:$0x1F900] =	vst v63  }
0x84: {  	_ = 	snop  }
0x85: {  	[tilespmem:s7], [sflag:$0x2] =	stream.indirect_vreg.gather [hbm4b:s2+s3], $0x80, v3, vm0, $0xb8;
	[tilespmem:$0x1F900] =	vst v63  }
0x86: {  	_ = 	snop  }
0x87: {  	[tilespmem:s8], [sflag:$0x2] =	stream.indirect_vreg.gather [hbm4b:s5+s3], $0x80, v3, vm0, $0xb8;
	[tilespmem:$0x1F900] =	vst v63  }
0x88: {  	v3 =	vld [tilespmem:$0x70];
	_ =	sdelay $0x4  }
0x89: {  	v61 =	vshll.u32 v3, $0x2  }
0x8a: {  	v3 =	vand.u32 $0x7, v3;
	v4 =	vand.u32 $0xFFFFFFE0, v61  }
0x8b: {  	v3 =	vor.u32 v3, v4  }
0x8c: {  	v4 =	vperm.xlane v3, v0;
	_ =	sdelay $0x1  }
0x8d: {  	v4 =	vadd.s32 v1, v4;
	_ =	sdelay $0x1  }
0x8e: {  	v3 =	vperm.xlane v3, v2;
	_ =	sdelay $0x1  }
0x8f: {  	v3 =	vadd.s32 v1, v3  }
0x90: {  	[tilespmem:s10], [sflag:$0x2] =	stream.indirect_vreg.gather [hbm4b:s2+s3], $0x80, v4, vm0, $0xb8;
	[tilespmem:$0x1F900] =	vst v63  }
0x91: {  	_ = 	snop  }
0x92: {  	[tilespmem:s11], [sflag:$0x2] =	stream.indirect_vreg.gather [hbm4b:s5+s3], $0x80, v4, vm0, $0xb8;
	[tilespmem:$0x1F900] =	vst v63  }
0x93: {  	_ = 	snop  }
0x94: {  	[tilespmem:s12], [sflag:$0x2] =	stream.indirect_vreg.gather [hbm4b:s2+s3], $0x80, v3, vm0, $0xb8;
	[tilespmem:$0x1F900] =	vst v63  }
0x95: {  	_ = 	snop  }
0x96: {  	[tilespmem:s13], [sflag:$0x2] =	stream.indirect_vreg.gather [hbm4b:s5+s3], $0x80, v3, vm0, $0xb8;
	[tilespmem:$0x1F900] =	vst v63  }
0x97: {  	v3 =	vld [tilespmem:$0x80];
	_ =	sdelay $0x4  }
0x98: {  	v62 =	vshll.u32 v3, $0x2  }
0x99: {  	v3 =	vand.u32 $0x7, v3;
	v4 =	vand.u32 $0xFFFFFFE0, v62  }
0x9a: {  	v3 =	vor.u32 v3, v4  }
0x9b: {  	v4 =	vperm.xlane v3, v0;
	_ =	sdelay $0x1  }
0x9c: {  	v4 =	vadd.s32 v1, v4;
	_ =	sdelay $0x1  }
0x9d: {  	v3 =	vperm.xlane v3, v2;
	_ =	sdelay $0x1  }
0x9e: {  	v3 =	vadd.s32 v1, v3  }
0x9f: {  	[tilespmem:s14], [sflag:$0x2] =	stream.indirect_vreg.gather [hbm4b:s2+s3], $0x80, v4, vm0, $0xb8;
	[tilespmem:$0x1F900] =	vst v63  }
0xa0: {  	_ = 	snop  }
0xa1: {  	[tilespmem:s15], [sflag:$0x2] =	stream.indirect_vreg.gather [hbm4b:s5+s3], $0x80, v4, vm0, $0xb8;
	[tilespmem:$0x1F900] =	vst v63  }
0xa2: {  	_ = 	snop  }
0xa3: {  	[tilespmem:s16], [sflag:$0x2] =	stream.indirect_vreg.gather [hbm4b:s2+s3], $0x80, v3, vm0, $0xb8;
	[tilespmem:$0x1F900] =	vst v63  }
0xa4: {  	_ = 	snop  }
0xa5: {  	[tilespmem:s17], [sflag:$0x2] =	stream.indirect_vreg.gather [hbm4b:s5+s3], $0x80, v3, vm0, $0xb8;
	[tilespmem:$0x1F900] =	vst v63  }
0xa6: {  	v3 =	vld [tilespmem:$0x90];
	_ =	sdelay $0x4  }
0xa7: {  	v63 =	vshll.u32 v3, $0x2  }
0xa8: {  	v3 =	vand.u32 $0x7, v3;
	v4 =	vand.u32 $0xFFFFFFE0, v63  }
0xa9: {  	v3 =	vor.u32 v3, v4  }
0xaa: {  	v4 =	vperm.xlane v3, v0;
	_ =	sdelay $0x1  }
0xab: {  	v4 =	vadd.s32 v1, v4;
	_ =	sdelay $0x2  }
0xac: {  	v3 =	vperm.xlane v3, v2;
	_ =	sdelay $0x1  }
0xad: {  	v3 =	vadd.s32 v1, v3;
	[tilespmem:s18], [sflag:$0x2] =	stream.indirect_vreg.gather [hbm4b:s2+s3], $0x80, v4, vm0, $0xb8;
	[tilespmem:$0x1F900] =	vst v63  }
0xae: {  	_ = 	snop  }
0xaf: {  	[tilespmem:s19], [sflag:$0x2] =	stream.indirect_vreg.gather [hbm4b:s5+s3], $0x80, v4, vm0, $0xb8;
	[tilespmem:$0x1F900] =	vst v63  }
.Ltmp2:
0xb0: {  	_ = 	snop;
	(pc) =	sbr.rel .LBB2_2-.Ltmp2, $4  }
0xb1: {  	_ = 	snop  }
0xb2: {  	[tilespmem:s20], [sflag:$0x2] =	stream.indirect_vreg.gather [hbm4b:s2+s3], $0x80, v3, vm0, $0xb8;
	[tilespmem:$0x1F900] =	vst v63  }
0xb3: {  	s31 =	simm.s32 $0xE0;
	s0 =	simm.s32 $0x0;
	s1 =	rddreg [dreg:$0x6]  }
0xb4: {  	[tilespmem:s21], [sflag:$0x2] =	stream.indirect_vreg.gather [hbm4b:s5+s3], $0x80, v3, vm0, $0xb8;
	[tilespmem:$0x1F900] =	vst v63  }
.LBB2_10:
0xb5: {  	s0 =	sadd.s32 $0x1, s0  }
0xb6: {  	p0 =	sne.s32 s0, $0x50  }
.Ltmp3:
0xb7: {  	_ = 	snop;
	(pc) =	sbr.rel @!p0 .LBB2_11-.Ltmp3, $2  }
0xb8: {  	_ =	sdelay $0x2  }
0xb9: {  	s1 =	sadd.s32 $0x1400, s1;
	s31 =	sadd.s32 $0x50, s31  }
.LBB2_2:
0xba: {  	s4 =	smul.u32 $0xAB, s0;
	_ =	sdelay $0x1  }
0xbb: {  	s4 =	sshrl.u32 s4, $0x9  }
0xbc: {  	s4 =	sand.u32 $0x7F, s4  }
0xbd: {  	s4 =	smul.u32 $0x3, s4;
	_ =	sdelay $0x1  }
0xbe: {  	s4 =	ssub.s32 s0, s4  }
0xbf: {  	s4 =	sand.u32 $0xFF, s4  }
0xc0: {  	p0 =	seq.s32 s4, $0x2  }
.Ltmp4:
0xc1: {  	_ = 	snop;
	(pc) =	sbr.rel @p0 .LBB2_8-.Ltmp4, $1  }
0xc2: {  	_ =	sdelay $0x3  }
0xc3: {  	p0 =	seq.s32 s4, $0x1  }
.Ltmp5:
0xc4: {  	_ = 	snop;
	(pc) =	sbr.rel @!p0 .LBB2_4-.Ltmp5, $1  }
0xc5: {  	_ =	sdelay $0x3  }
0xc6: {  	_ =	swait.ge [sflag:s25], $0xA000  }
0xc7: {  	p0 =	sgt.u32 s0, $0x4D;
	[sflag:s25] =	ssyncset.done $0x0  }
.Ltmp6:
0xc8: {  	[sflag:s25] =	ssyncadd.s32 $0xFFFF6000;
	(pc) =	sbr.rel @p0 .LBB2_10-.Ltmp6, $4  }
0xc9: {  	[hbm4b:s1+s3] =	stream.linear.scatter [tilespmem:s30], [sflag:$0x5], $0xA000, $0x38;
	[tilespmem:$0x1F900] =	vst v63  }
0xca: {  	_ =	swait.ge [sflag:s26], $0xA000  }
0xcb: {  	[sflag:s26] =	ssyncset.done $0x0  }
0xcc: {  	[sflag:s26] =	ssyncadd.s32 $0xFFFF6000  }
0xcd: {  	v3 =	vld [tilespmem:s31+$0xFFFFFFC0];
	_ =	sdelay $0x4  }
0xce: {  	v4 =	vshll.u32 v3, $0x2  }
0xcf: {  	v3 =	vand.u32 $0x7, v3;
	v4 =	vand.u32 $0xFFFFFFE0, v4  }
0xd0: {  	v3 =	vor.u32 v3, v4  }
0xd1: {  	v4 =	vperm.xlane v3, v0;
	_ =	sdelay $0x1  }
0xd2: {  	v4 =	vadd.s32 v1, v4;
	_ =	sdelay $0x1  }
0xd3: {  	v3 =	vperm.xlane v3, v2;
	_ =	sdelay $0x1  }
0xd4: {  	v3 =	vadd.s32 v1, v3  }
0xd5: {  	[tilespmem:s9], [sflag:$0x1] =	stream.indirect_vreg.gather [hbm4b:s2+s3], $0x80, v4, vm0, $0xb8;
	[tilespmem:$0x1F900] =	vst v63  }
0xd6: {  	s4 =	simm.s32 $0x2100  }
0xd7: {  	[tilespmem:s4], [sflag:$0x1] =	stream.indirect_vreg.gather [hbm4b:s5+s3], $0x80, v4, vm0, $0xb8;
	[tilespmem:$0x1F900] =	vst v63  }
0xd8: {  	s4 =	simm.s32 $0x2900  }
0xd9: {  	[tilespmem:s4], [sflag:$0x1] =	stream.indirect_vreg.gather [hbm4b:s2+s3], $0x80, v3, vm0, $0xb8;
	[tilespmem:$0x1F900] =	vst v63  }
0xda: {  	s4 =	simm.s32 $0x3100  }
0xdb: {  	[tilespmem:s4], [sflag:$0x1] =	stream.indirect_vreg.gather [hbm4b:s5+s3], $0x80, v3, vm0, $0xb8;
	[tilespmem:$0x1F900] =	vst v63  }
0xdc: {  	v3 =	vld [tilespmem:s31+$0xFFFFFFD0];
	_ =	sdelay $0x4  }
0xdd: {  	v60 =	vshll.u32 v3, $0x2  }
0xde: {  	v3 =	vand.u32 $0x7, v3;
	v4 =	vand.u32 $0xFFFFFFE0, v60  }
0xdf: {  	v3 =	vor.u32 v3, v4  }
0xe0: {  	v4 =	vperm.xlane v3, v0;
	_ =	sdelay $0x1  }
0xe1: {  	v4 =	vadd.s32 v1, v4;
	_ =	sdelay $0x1  }
0xe2: {  	v3 =	vperm.xlane v3, v2;
	_ =	sdelay $0x1  }
0xe3: {  	s4 =	simm.s32 $0x3900;
	v3 =	vadd.s32 v1, v3  }
0xe4: {  	[tilespmem:s4], [sflag:$0x1] =	stream.indirect_vreg.gather [hbm4b:s2+s3], $0x80, v4, vm0, $0xb8;
	[tilespmem:$0x1F900] =	vst v63  }
0xe5: {  	s4 =	simm.s32 $0x4100  }
0xe6: {  	[tilespmem:s4], [sflag:$0x1] =	stream.indirect_vreg.gather [hbm4b:s5+s3], $0x80, v4, vm0, $0xb8;
	[tilespmem:$0x1F900] =	vst v63  }
0xe7: {  	s4 =	simm.s32 $0x4900  }
0xe8: {  	[tilespmem:s4], [sflag:$0x1] =	stream.indirect_vreg.gather [hbm4b:s2+s3], $0x80, v3, vm0, $0xb8;
	[tilespmem:$0x1F900] =	vst v63  }
0xe9: {  	s4 =	simm.s32 $0x5100  }
0xea: {  	[tilespmem:s4], [sflag:$0x1] =	stream.indirect_vreg.gather [hbm4b:s5+s3], $0x80, v3, vm0, $0xb8;
	[tilespmem:$0x1F900] =	vst v63  }
0xeb: {  	v3 =	vld [tilespmem:s31+$0xFFFFFFE0];
	_ =	sdelay $0x4  }
0xec: {  	v61 =	vshll.u32 v3, $0x2  }
0xed: {  	v3 =	vand.u32 $0x7, v3;
	v4 =	vand.u32 $0xFFFFFFE0, v61  }
0xee: {  	v3 =	vor.u32 v3, v4  }
0xef: {  	v4 =	vperm.xlane v3, v0;
	_ =	sdelay $0x1  }
0xf0: {  	v4 =	vadd.s32 v1, v4;
	_ =	sdelay $0x1  }
0xf1: {  	v3 =	vperm.xlane v3, v2;
	_ =	sdelay $0x1  }
0xf2: {  	s4 =	simm.s32 $0x5900;
	v3 =	vadd.s32 v1, v3  }
0xf3: {  	[tilespmem:s4], [sflag:$0x1] =	stream.indirect_vreg.gather [hbm4b:s2+s3], $0x80, v4, vm0, $0xb8;
	[tilespmem:$0x1F900] =	vst v63  }
0xf4: {  	s4 =	simm.s32 $0x6100  }
0xf5: {  	[tilespmem:s4], [sflag:$0x1] =	stream.indirect_vreg.gather [hbm4b:s5+s3], $0x80, v4, vm0, $0xb8;
	[tilespmem:$0x1F900] =	vst v63  }
0xf6: {  	s4 =	simm.s32 $0x6900  }
0xf7: {  	[tilespmem:s4], [sflag:$0x1] =	stream.indirect_vreg.gather [hbm4b:s2+s3], $0x80, v3, vm0, $0xb8;
	[tilespmem:$0x1F900] =	vst v63  }
0xf8: {  	s4 =	simm.s32 $0x7100  }
0xf9: {  	[tilespmem:s4], [sflag:$0x1] =	stream.indirect_vreg.gather [hbm4b:s5+s3], $0x80, v3, vm0, $0xb8;
	[tilespmem:$0x1F900] =	vst v63  }
0xfa: {  	v3 =	vld [tilespmem:s31+$0xFFFFFFF0];
	_ =	sdelay $0x4  }
0xfb: {  	v62 =	vshll.u32 v3, $0x2  }
0xfc: {  	v3 =	vand.u32 $0x7, v3;
	v4 =	vand.u32 $0xFFFFFFE0, v62  }
0xfd: {  	v3 =	vor.u32 v3, v4  }
0xfe: {  	v4 =	vperm.xlane v3, v0;
	_ =	sdelay $0x1  }
0xff: {  	v4 =	vadd.s32 v1, v4;
	_ =	sdelay $0x1  }
0x100: {  	v3 =	vperm.xlane v3, v2;
	_ =	sdelay $0x1  }
0x101: {  	s4 =	simm.s32 $0x7900;
	v3 =	vadd.s32 v1, v3  }
0x102: {  	[tilespmem:s4], [sflag:$0x1] =	stream.indirect_vreg.gather [hbm4b:s2+s3], $0x80, v4, vm0, $0xb8;
	[tilespmem:$0x1F900] =	vst v63  }
0x103: {  	s4 =	simm.s32 $0x8100  }
0x104: {  	[tilespmem:s4], [sflag:$0x1] =	stream.indirect_vreg.gather [hbm4b:s5+s3], $0x80, v4, vm0, $0xb8;
	[tilespmem:$0x1F900] =	vst v63  }
0x105: {  	s4 =	simm.s32 $0x8900  }
0x106: {  	[tilespmem:s4], [sflag:$0x1] =	stream.indirect_vreg.gather [hbm4b:s2+s3], $0x80, v3, vm0, $0xb8;
	[tilespmem:$0x1F900] =	vst v63  }
0x107: {  	s4 =	simm.s32 $0x9100  }
0x108: {  	[tilespmem:s4], [sflag:$0x1] =	stream.indirect_vreg.gather [hbm4b:s5+s3], $0x80, v3, vm0, $0xb8;
	[tilespmem:$0x1F900] =	vst v63  }
0x109: {  	v3 =	vld [tilespmem:s31+$0x0];
	_ =	sdelay $0x4  }
0x10a: {  	v63 =	vshll.u32 v3, $0x2  }
0x10b: {  	v3 =	vand.u32 $0x7, v3;
	v4 =	vand.u32 $0xFFFFFFE0, v63  }
0x10c: {  	v3 =	vor.u32 v3, v4  }
0x10d: {  	v4 =	vperm.xlane v3, v0;
	_ =	sdelay $0x1  }
0x10e: {  	v4 =	vadd.s32 v1, v4;
	_ =	sdelay $0x2  }
0x10f: {  	v3 =	vperm.xlane v3, v2  }
0x110: {  	s4 =	simm.s32 $0x9900  }
0x111: {  	v3 =	vadd.s32 v1, v3;
	[tilespmem:s4], [sflag:$0x1] =	stream.indirect_vreg.gather [hbm4b:s2+s3], $0x80, v4, vm0, $0xb8;
	[tilespmem:$0x1F900] =	vst v63  }
0x112: {  	s4 =	simm.s32 $0xA100  }
0x113: {  	[tilespmem:s4], [sflag:$0x1] =	stream.indirect_vreg.gather [hbm4b:s5+s3], $0x80, v4, vm0, $0xb8;
	[tilespmem:$0x1F900] =	vst v63  }
.Ltmp7:
0x114: {  	_ = 	snop;
	(pc) =	sbr.rel .LBB2_10-.Ltmp7, $4  }
0x115: {  	s4 =	simm.s32 $0xA900  }
0x116: {  	[tilespmem:s4], [sflag:$0x1] =	stream.indirect_vreg.gather [hbm4b:s2+s3], $0x80, v3, vm0, $0xb8;
	[tilespmem:$0x1F900] =	vst v63  }
0x117: {  	s4 =	simm.s32 $0xB100  }
0x118: {  	[tilespmem:s4], [sflag:$0x1] =	stream.indirect_vreg.gather [hbm4b:s5+s3], $0x80, v3, vm0, $0xb8;
	[tilespmem:$0x1F900] =	vst v63  }
.LBB2_8:
0x119: {  	_ =	swait.ge [sflag:s22], $0xA000  }
0x11a: {  	p0 =	sgt.u32 s0, $0x4D;
	[sflag:s22] =	ssyncset.done $0x0  }
.Ltmp8:
0x11b: {  	[sflag:s22] =	ssyncadd.s32 $0xFFFF6000;
	(pc) =	sbr.rel @p0 .LBB2_10-.Ltmp8, $4  }
0x11c: {  	[hbm4b:s1+s3] =	stream.linear.scatter [tilespmem:s23], [sflag:$0x6], $0xA000, $0x38;
	[tilespmem:$0x1F900] =	vst v63  }
0x11d: {  	_ =	swait.ge [sflag:s24], $0xA000  }
0x11e: {  	[sflag:s24] =	ssyncset.done $0x0  }
0x11f: {  	[sflag:s24] =	ssyncadd.s32 $0xFFFF6000  }
0x120: {  	v3 =	vld [tilespmem:s31+$0xFFFFFFC0];
	_ =	sdelay $0x4  }
0x121: {  	v4 =	vshll.u32 v3, $0x2  }
0x122: {  	v3 =	vand.u32 $0x7, v3;
	v4 =	vand.u32 $0xFFFFFFE0, v4  }
0x123: {  	v3 =	vor.u32 v3, v4  }
0x124: {  	v4 =	vperm.xlane v3, v0;
	_ =	sdelay $0x1  }
0x125: {  	v4 =	vadd.s32 v1, v4;
	_ =	sdelay $0x1  }
0x126: {  	v3 =	vperm.xlane v3, v2;
	_ =	sdelay $0x1  }
0x127: {  	v3 =	vadd.s32 v1, v3  }
0x128: {  	[tilespmem:s30], [sflag:$0x2] =	stream.indirect_vreg.gather [hbm4b:s2+s3], $0x80, v4, vm0, $0xb8;
	[tilespmem:$0x1F900] =	vst v63  }
0x129: {  	s4 =	simm.s32 $0xC100  }
0x12a: {  	[tilespmem:s4], [sflag:$0x2] =	stream.indirect_vreg.gather [hbm4b:s5+s3], $0x80, v4, vm0, $0xb8;
	[tilespmem:$0x1F900] =	vst v63  }
0x12b: {  	s4 =	simm.s32 $0xC900  }
0x12c: {  	[tilespmem:s4], [sflag:$0x2] =	stream.indirect_vreg.gather [hbm4b:s2+s3], $0x80, v3, vm0, $0xb8;
	[tilespmem:$0x1F900] =	vst v63  }
0x12d: {  	s4 =	simm.s32 $0xD100  }
0x12e: {  	[tilespmem:s4], [sflag:$0x2] =	stream.indirect_vreg.gather [hbm4b:s5+s3], $0x80, v3, vm0, $0xb8;
	[tilespmem:$0x1F900] =	vst v63  }
0x12f: {  	v3 =	vld [tilespmem:s31+$0xFFFFFFD0];
	_ =	sdelay $0x4  }
0x130: {  	v60 =	vshll.u32 v3, $0x2  }
0x131: {  	v3 =	vand.u32 $0x7, v3;
	v4 =	vand.u32 $0xFFFFFFE0, v60  }
0x132: {  	v3 =	vor.u32 v3, v4  }
0x133: {  	v4 =	vperm.xlane v3, v0;
	_ =	sdelay $0x1  }
0x134: {  	v4 =	vadd.s32 v1, v4;
	_ =	sdelay $0x1  }
0x135: {  	v3 =	vperm.xlane v3, v2;
	_ =	sdelay $0x1  }
0x136: {  	s4 =	simm.s32 $0xD900;
	v3 =	vadd.s32 v1, v3  }
0x137: {  	[tilespmem:s4], [sflag:$0x2] =	stream.indirect_vreg.gather [hbm4b:s2+s3], $0x80, v4, vm0, $0xb8;
	[tilespmem:$0x1F900] =	vst v63  }
0x138: {  	_ = 	snop  }
0x139: {  	[tilespmem:s6], [sflag:$0x2] =	stream.indirect_vreg.gather [hbm4b:s5+s3], $0x80, v4, vm0, $0xb8;
	[tilespmem:$0x1F900] =	vst v63  }
0x13a: {  	_ = 	snop  }
0x13b: {  	[tilespmem:s7], [sflag:$0x2] =	stream.indirect_vreg.gather [hbm4b:s2+s3], $0x80, v3, vm0, $0xb8;
	[tilespmem:$0x1F900] =	vst v63  }
0x13c: {  	_ = 	snop  }
0x13d: {  	[tilespmem:s8], [sflag:$0x2] =	stream.indirect_vreg.gather [hbm4b:s5+s3], $0x80, v3, vm0, $0xb8;
	[tilespmem:$0x1F900] =	vst v63  }
0x13e: {  	v3 =	vld [tilespmem:s31+$0xFFFFFFE0];
	_ =	sdelay $0x4  }
0x13f: {  	v61 =	vshll.u32 v3, $0x2  }
0x140: {  	v3 =	vand.u32 $0x7, v3;
	v4 =	vand.u32 $0xFFFFFFE0, v61  }
0x141: {  	v3 =	vor.u32 v3, v4  }
0x142: {  	v4 =	vperm.xlane v3, v0;
	_ =	sdelay $0x1  }
0x143: {  	v4 =	vadd.s32 v1, v4;
	_ =	sdelay $0x1  }
0x144: {  	v3 =	vperm.xlane v3, v2;
	_ =	sdelay $0x1  }
0x145: {  	v3 =	vadd.s32 v1, v3  }
0x146: {  	[tilespmem:s10], [sflag:$0x2] =	stream.indirect_vreg.gather [hbm4b:s2+s3], $0x80, v4, vm0, $0xb8;
	[tilespmem:$0x1F900] =	vst v63  }
0x147: {  	_ = 	snop  }
0x148: {  	[tilespmem:s11], [sflag:$0x2] =	stream.indirect_vreg.gather [hbm4b:s5+s3], $0x80, v4, vm0, $0xb8;
	[tilespmem:$0x1F900] =	vst v63  }
0x149: {  	_ = 	snop  }
0x14a: {  	[tilespmem:s12], [sflag:$0x2] =	stream.indirect_vreg.gather [hbm4b:s2+s3], $0x80, v3, vm0, $0xb8;
	[tilespmem:$0x1F900] =	vst v63  }
0x14b: {  	_ = 	snop  }
0x14c: {  	[tilespmem:s13], [sflag:$0x2] =	stream.indirect_vreg.gather [hbm4b:s5+s3], $0x80, v3, vm0, $0xb8;
	[tilespmem:$0x1F900] =	vst v63  }
0x14d: {  	v3 =	vld [tilespmem:s31+$0xFFFFFFF0];
	_ =	sdelay $0x4  }
0x14e: {  	v62 =	vshll.u32 v3, $0x2  }
0x14f: {  	v3 =	vand.u32 $0x7, v3;
	v4 =	vand.u32 $0xFFFFFFE0, v62  }
0x150: {  	v3 =	vor.u32 v3, v4  }
0x151: {  	v4 =	vperm.xlane v3, v0;
	_ =	sdelay $0x1  }
0x152: {  	v4 =	vadd.s32 v1, v4;
	_ =	sdelay $0x1  }
0x153: {  	v3 =	vperm.xlane v3, v2;
	_ =	sdelay $0x1  }
0x154: {  	v3 =	vadd.s32 v1, v3  }
0x155: {  	[tilespmem:s14], [sflag:$0x2] =	stream.indirect_vreg.gather [hbm4b:s2+s3], $0x80, v4, vm0, $0xb8;
	[tilespmem:$0x1F900] =	vst v63  }
0x156: {  	_ = 	snop  }
0x157: {  	[tilespmem:s15], [sflag:$0x2] =	stream.indirect_vreg.gather [hbm4b:s5+s3], $0x80, v4, vm0, $0xb8;
	[tilespmem:$0x1F900] =	vst v63  }
0x158: {  	_ = 	snop  }
0x159: {  	[tilespmem:s16], [sflag:$0x2] =	stream.indirect_vreg.gather [hbm4b:s2+s3], $0x80, v3, vm0, $0xb8;
	[tilespmem:$0x1F900] =	vst v63  }
0x15a: {  	_ = 	snop  }
0x15b: {  	[tilespmem:s17], [sflag:$0x2] =	stream.indirect_vreg.gather [hbm4b:s5+s3], $0x80, v3, vm0, $0xb8;
	[tilespmem:$0x1F900] =	vst v63  }
0x15c: {  	v3 =	vld [tilespmem:s31+$0x0];
	_ =	sdelay $0x4  }
0x15d: {  	v63 =	vshll.u32 v3, $0x2  }
0x15e: {  	v3 =	vand.u32 $0x7, v3;
	v4 =	vand.u32 $0xFFFFFFE0, v63  }
0x15f: {  	v3 =	vor.u32 v3, v4  }
0x160: {  	v4 =	vperm.xlane v3, v0;
	_ =	sdelay $0x1  }
0x161: {  	v4 =	vadd.s32 v1, v4;
	_ =	sdelay $0x2  }
0x162: {  	v3 =	vperm.xlane v3, v2;
	_ =	sdelay $0x1  }
0x163: {  	v3 =	vadd.s32 v1, v3;
	[tilespmem:s18], [sflag:$0x2] =	stream.indirect_vreg.gather [hbm4b:s2+s3], $0x80, v4, vm0, $0xb8;
	[tilespmem:$0x1F900] =	vst v63  }
0x164: {  	_ = 	snop  }
0x165: {  	[tilespmem:s19], [sflag:$0x2] =	stream.indirect_vreg.gather [hbm4b:s5+s3], $0x80, v4, vm0, $0xb8;
	[tilespmem:$0x1F900] =	vst v63  }
.Ltmp9:
0x166: {  	_ = 	snop;
	(pc) =	sbr.rel .LBB2_10-.Ltmp9, $4  }
0x167: {  	_ = 	snop  }
0x168: {  	[tilespmem:s20], [sflag:$0x2] =	stream.indirect_vreg.gather [hbm4b:s2+s3], $0x80, v3, vm0, $0xb8;
	[tilespmem:$0x1F900] =	vst v63  }
0x169: {  	_ = 	snop  }
0x16a: {  	[tilespmem:s21], [sflag:$0x2] =	stream.indirect_vreg.gather [hbm4b:s5+s3], $0x80, v3, vm0, $0xb8;
	[tilespmem:$0x1F900] =	vst v63  }
.LBB2_4:
0x16b: {  	p0 =	seq.s32 s0, $0x0  }
0x16c: {  	_ =	swait.ge [sflag:s28], $0xA000;
	p1 =	sgt.u32 @!p0 s0, $0x4D  }
0x16d: {  	[sflag:s28] =	ssyncset.done $0x0;
	p1 =	por p0, !p1  }
.Ltmp10:
0x16e: {  	s4 =	simm.s32 @!p0 $0x6;
	[sflag:s28] =	ssyncadd.s32 $0xFFFF6000;
	(pc) =	sbr.rel @!p1 .LBB2_10-.Ltmp10, $4  }
0x16f: {  	[hbm4b:s1+s3] =	stream.linear.scatter [tilespmem:s9], [sflag:$0x4], $0xA000, $0x38;
	[tilespmem:$0x1F900] =	vst v63  }
0x170: {  	_ =	swait.ge @!p0 [sflag:s4], $0xA000  }
0x171: {  	[sflag:s4] =	ssyncset.done @!p0 $0x0  }
0x172: {  	[sflag:s4] =	ssyncadd.s32 @!p0 $0xFFFF6000  }
0x173: {  	v3 =	vld [tilespmem:s31+$0xFFFFFFC0];
	_ =	sdelay $0x4  }
0x174: {  	v4 =	vshll.u32 v3, $0x2  }
0x175: {  	v3 =	vand.u32 $0x7, v3;
	v4 =	vand.u32 $0xFFFFFFE0, v4  }
0x176: {  	v3 =	vor.u32 v3, v4  }
0x177: {  	v4 =	vperm.xlane v3, v0;
	_ =	sdelay $0x1  }
0x178: {  	v4 =	vadd.s32 v1, v4;
	_ =	sdelay $0x1  }
0x179: {  	v3 =	vperm.xlane v3, v2;
	_ =	sdelay $0x1  }
0x17a: {  	v3 =	vadd.s32 v1, v3  }
0x17b: {  	[tilespmem:s23], [sflag:$0x3] =	stream.indirect_vreg.gather [hbm4b:s2+s3], $0x80, v4, vm0, $0xb8;
	[tilespmem:$0x1F900] =	vst v63  }
0x17c: {  	s4 =	simm.s32 $0x16100  }
0x17d: {  	[tilespmem:s4], [sflag:$0x3] =	stream.indirect_vreg.gather [hbm4b:s5+s3], $0x80, v4, vm0, $0xb8;
	[tilespmem:$0x1F900] =	vst v63  }
0x17e: {  	s4 =	simm.s32 $0x16900  }
0x17f: {  	[tilespmem:s4], [sflag:$0x3] =	stream.indirect_vreg.gather [hbm4b:s2+s3], $0x80, v3, vm0, $0xb8;
	[tilespmem:$0x1F900] =	vst v63  }
0x180: {  	s4 =	simm.s32 $0x17100  }
0x181: {  	[tilespmem:s4], [sflag:$0x3] =	stream.indirect_vreg.gather [hbm4b:s5+s3], $0x80, v3, vm0, $0xb8;
	[tilespmem:$0x1F900] =	vst v63  }
0x182: {  	v3 =	vld [tilespmem:s31+$0xFFFFFFD0];
	_ =	sdelay $0x4  }
0x183: {  	v60 =	vshll.u32 v3, $0x2  }
0x184: {  	v3 =	vand.u32 $0x7, v3;
	v4 =	vand.u32 $0xFFFFFFE0, v60  }
0x185: {  	v3 =	vor.u32 v3, v4  }
0x186: {  	v4 =	vperm.xlane v3, v0;
	_ =	sdelay $0x1  }
0x187: {  	v4 =	vadd.s32 v1, v4;
	_ =	sdelay $0x1  }
0x188: {  	v3 =	vperm.xlane v3, v2;
	_ =	sdelay $0x1  }
0x189: {  	s4 =	simm.s32 $0x17900;
	v3 =	vadd.s32 v1, v3  }
0x18a: {  	[tilespmem:s4], [sflag:$0x3] =	stream.indirect_vreg.gather [hbm4b:s2+s3], $0x80, v4, vm0, $0xb8;
	[tilespmem:$0x1F900] =	vst v63  }
0x18b: {  	s4 =	simm.s32 $0x18100  }
0x18c: {  	[tilespmem:s4], [sflag:$0x3] =	stream.indirect_vreg.gather [hbm4b:s5+s3], $0x80, v4, vm0, $0xb8;
	[tilespmem:$0x1F900] =	vst v63  }
0x18d: {  	s4 =	simm.s32 $0x18900  }
0x18e: {  	[tilespmem:s4], [sflag:$0x3] =	stream.indirect_vreg.gather [hbm4b:s2+s3], $0x80, v3, vm0, $0xb8;
	[tilespmem:$0x1F900] =	vst v63  }
0x18f: {  	s4 =	simm.s32 $0x19100  }
0x190: {  	[tilespmem:s4], [sflag:$0x3] =	stream.indirect_vreg.gather [hbm4b:s5+s3], $0x80, v3, vm0, $0xb8;
	[tilespmem:$0x1F900] =	vst v63  }
0x191: {  	v3 =	vld [tilespmem:s31+$0xFFFFFFE0];
	_ =	sdelay $0x4  }
0x192: {  	v61 =	vshll.u32 v3, $0x2  }
0x193: {  	v3 =	vand.u32 $0x7, v3;
	v4 =	vand.u32 $0xFFFFFFE0, v61  }
0x194: {  	v3 =	vor.u32 v3, v4  }
0x195: {  	v4 =	vperm.xlane v3, v0;
	_ =	sdelay $0x1  }
0x196: {  	v4 =	vadd.s32 v1, v4;
	_ =	sdelay $0x1  }
0x197: {  	v3 =	vperm.xlane v3, v2;
	_ =	sdelay $0x1  }
0x198: {  	s4 =	simm.s32 $0x19900;
	v3 =	vadd.s32 v1, v3  }
0x199: {  	[tilespmem:s4], [sflag:$0x3] =	stream.indirect_vreg.gather [hbm4b:s2+s3], $0x80, v4, vm0, $0xb8;
	[tilespmem:$0x1F900] =	vst v63  }
0x19a: {  	s4 =	simm.s32 $0x1A100  }
0x19b: {  	[tilespmem:s4], [sflag:$0x3] =	stream.indirect_vreg.gather [hbm4b:s5+s3], $0x80, v4, vm0, $0xb8;
	[tilespmem:$0x1F900] =	vst v63  }
0x19c: {  	s4 =	simm.s32 $0x1A900  }
0x19d: {  	[tilespmem:s4], [sflag:$0x3] =	stream.indirect_vreg.gather [hbm4b:s2+s3], $0x80, v3, vm0, $0xb8;
	[tilespmem:$0x1F900] =	vst v63  }
0x19e: {  	s4 =	simm.s32 $0x1B100  }
0x19f: {  	[tilespmem:s4], [sflag:$0x3] =	stream.indirect_vreg.gather [hbm4b:s5+s3], $0x80, v3, vm0, $0xb8;
	[tilespmem:$0x1F900] =	vst v63  }
0x1a0: {  	v3 =	vld [tilespmem:s31+$0xFFFFFFF0];
	_ =	sdelay $0x4  }
0x1a1: {  	v62 =	vshll.u32 v3, $0x2  }
0x1a2: {  	v3 =	vand.u32 $0x7, v3;
	v4 =	vand.u32 $0xFFFFFFE0, v62  }
0x1a3: {  	v3 =	vor.u32 v3, v4  }
0x1a4: {  	v4 =	vperm.xlane v3, v0;
	_ =	sdelay $0x1  }
0x1a5: {  	v4 =	vadd.s32 v1, v4;
	_ =	sdelay $0x1  }
0x1a6: {  	v3 =	vperm.xlane v3, v2;
	_ =	sdelay $0x1  }
0x1a7: {  	s4 =	simm.s32 $0x1B900;
	v3 =	vadd.s32 v1, v3  }
0x1a8: {  	[tilespmem:s4], [sflag:$0x3] =	stream.indirect_vreg.gather [hbm4b:s2+s3], $0x80, v4, vm0, $0xb8;
	[tilespmem:$0x1F900] =	vst v63  }
0x1a9: {  	s4 =	simm.s32 $0x1C100  }
0x1aa: {  	[tilespmem:s4], [sflag:$0x3] =	stream.indirect_vreg.gather [hbm4b:s5+s3], $0x80, v4, vm0, $0xb8;
	[tilespmem:$0x1F900] =	vst v63  }
0x1ab: {  	s4 =	simm.s32 $0x1C900  }
0x1ac: {  	[tilespmem:s4], [sflag:$0x3] =	stream.indirect_vreg.gather [hbm4b:s2+s3], $0x80, v3, vm0, $0xb8;
	[tilespmem:$0x1F900] =	vst v63  }
0x1ad: {  	s4 =	simm.s32 $0x1D100  }
0x1ae: {  	[tilespmem:s4], [sflag:$0x3] =	stream.indirect_vreg.gather [hbm4b:s5+s3], $0x80, v3, vm0, $0xb8;
	[tilespmem:$0x1F900] =	vst v63  }
0x1af: {  	v3 =	vld [tilespmem:s31+$0x0];
	_ =	sdelay $0x4  }
0x1b0: {  	v63 =	vshll.u32 v3, $0x2  }
0x1b1: {  	v3 =	vand.u32 $0x7, v3;
	v4 =	vand.u32 $0xFFFFFFE0, v63  }
0x1b2: {  	v3 =	vor.u32 v3, v4  }
0x1b3: {  	v4 =	vperm.xlane v3, v0;
	_ =	sdelay $0x1  }
0x1b4: {  	v4 =	vadd.s32 v1, v4;
	_ =	sdelay $0x2  }
0x1b5: {  	v3 =	vperm.xlane v3, v2  }
0x1b6: {  	s4 =	simm.s32 $0x1D900  }
0x1b7: {  	v3 =	vadd.s32 v1, v3;
	[tilespmem:s4], [sflag:$0x3] =	stream.indirect_vreg.gather [hbm4b:s2+s3], $0x80, v4, vm0, $0xb8;
	[tilespmem:$0x1F900] =	vst v63  }
0x1b8: {  	s4 =	simm.s32 $0x1E100  }
0x1b9: {  	[tilespmem:s4], [sflag:$0x3] =	stream.indirect_vreg.gather [hbm4b:s5+s3], $0x80, v4, vm0, $0xb8;
	[tilespmem:$0x1F900] =	vst v63  }
.Ltmp11:
0x1ba: {  	_ = 	snop;
	(pc) =	sbr.rel .LBB2_10-.Ltmp11, $4  }
0x1bb: {  	s4 =	simm.s32 $0x1E900  }
0x1bc: {  	[tilespmem:s4], [sflag:$0x3] =	stream.indirect_vreg.gather [hbm4b:s2+s3], $0x80, v3, vm0, $0xb8;
	[tilespmem:$0x1F900] =	vst v63  }
0x1bd: {  	s4 =	simm.s32 $0x1F100  }
0x1be: {  	[tilespmem:s4], [sflag:$0x3] =	stream.indirect_vreg.gather [hbm4b:s5+s3], $0x80, v3, vm0, $0xb8;
	[tilespmem:$0x1F900] =	vst v63  }
.LBB2_12:
0x1bf: {  	_ =	sfence.sel $0x180000  }
0x1c0: {  	[bflag:$0x0] =	sbarrier.arrive $0xFFFF  }
0x1c1: {  	_ =	strace $0x90000047  }
0x1c2: {  	s0 =	stileid.u32;
	[bflag:$0x2] =	sbarrier.arrive $0xFFFF  }
0x1c3: {  	p0 =	sne.s32 s0, $0x0;
	s0 =	rddreg [dreg:$0x3]  }
0x1c4: {  	s0 =	sadd.s32 @!p0 $0x100000, s0  }
0x1c5: {  	[sflag:s0] =	ssyncadd.tile.s32 @!p0 $0x1;
	_ =	shalt  }
.Lfunc_end2:
_tile_overlayer_lowered:
.L_overlay_start_2:
0x1c6: {  	(tag) =	ssettag $0x2  }
0x1c7: {  	s0 =	rddreg [dreg:$0x0];
	s2 =	stileid.u32  }
0x1c8: {  	s1 =	rddreg [dreg:$0x1];
	p0 =	sne.s32 s2, $0x0  }
0x1c9: {  	s3 =	rddreg [dreg:$0x2];
	[bflag:$0x3] =	sbarrier.arrive $0xFFFF;
	s2 =	simm.s32 @!p0 $0x1C07  }
0x1ca: {  	[timem:s3], [sflag:s2] =	dma.local @!p0 [hbm:s0], s1  }
0x1cb: {  	s0 =	simm.s32 @!p0 $0x7  }
0x1cc: {  	_ =	swait.ge @!p0 [sflag:s0], s1  }
0x1cd: {  	s1 =	ssub.s32 @!p0 $0x0, s1;
	[sflag:s0] =	ssyncset.done @!p0 $0x0  }
0x1ce: {  	[sflag:s0] =	ssyncadd.s32 @!p0 s1  }
0x1cf: {  	[bflag:$0x3] =	sbarrier.arrive $0xFFFF  }
0x1d0: {  	_ =	shalt  }

</sc_bundles>
